<compile_context>
chip_gen: v7x
topology: tpu7x:2x2x1
jax: 0.10.2.dev20260603
libtpu: 0.0.44.dev20260713+nightly
codegen_flags: <defaults>
</compile_context>

<pallas_src>
import jax
import jax.numpy as jnp
from jax import lax
from jax.experimental import pallas as pl
from jax.experimental.pallas import tpu as pltpu
from jax.experimental.pallas import tpu_sc as plsc

NUM_USERS = 1000000
NUM_KEYWORDS = 100000
D = 64
B = 16384
HIST = 50

NC = 2
NS = 16
NW = NC * NS
BPW = B // NW
NCH = BPW // 128

TBLK = 4096


def _fmt_body(xt_r, out_r):
    xt = xt_r[...]
    y = jnp.transpose(xt)
    y3 = y.reshape(TBLK // 2, 2, D)
    out_r[...] = jnp.concatenate([y3[:, 0, :], y3[:, 1, :]], axis=1)


def _tc_format(table_t, n):
    grid = (n + TBLK - 1) // TBLK
    out2 = pl.pallas_call(
        _fmt_body,
        grid=(grid,),
        in_specs=[pl.BlockSpec((D, TBLK), lambda i: (0, i))],
        out_specs=pl.BlockSpec((TBLK // 2, 2 * D), lambda i: (i, 0)),
        out_shape=jax.ShapeDtypeStruct((n // 2, 2 * D), jnp.float32),
    )(table_t)
    return out2.reshape(n, D)


def _sc_bag_body(kwt_r, wk_r, ksum_r, kidx, acc, sem_k):
    c_id = lax.axis_index("c")
    s_id = lax.axis_index("s")
    wid = s_id * NC + c_id
    base = wid * BPW
    cb = wid * NCH

    pltpu.sync_copy(kwt_r.at[:, pl.ds(cb, NCH), :], kidx)

    for c in range(NCH):
        pltpu.async_copy(wk_r.at[kidx.at[0, c]],
                         acc.at[pl.ds(c * 128, 128)], sem_k)
    pltpu.make_async_copy(wk_r.at[pl.ds(0, BPW)], acc, sem_k).wait()

    def fire(j, carry):
        for c in range(NCH):
            pltpu.async_copy(wk_r.at[kidx.at[j, c]],
                             acc.at[pl.ds(c * 128, 128)], sem_k, add=True)
        return carry

    lax.fori_loop(1, HIST, fire, 0)

    def drain(j, carry):
        pltpu.make_async_copy(wk_r.at[pl.ds(0, BPW)], acc, sem_k).wait()
        return carry

    lax.fori_loop(1, HIST, drain, 0)

    pltpu.sync_copy(acc, ksum_r.at[pl.ds(base, BPW)])


def _sc_bag(kwt3, W_kw_lin):
    mesh = plsc.VectorSubcoreMesh(core_axis_name="c", subcore_axis_name="s")
    return pl.kernel(
        _sc_bag_body,
        out_type=jax.ShapeDtypeStruct((B, D), jnp.float32),
        mesh=mesh,
        scratch_types=[
            pltpu.VMEM((HIST, NCH, 128), jnp.int32),
            pltpu.VMEM((BPW, D), jnp.float32),
            pltpu.SemaphoreType.DMA,
        ],
        compiler_params=pltpu.CompilerParams(use_tc_tiling_on_sc=False),
    )(kwt3, W_kw_lin)


def _sc_user_body(u3_r, wu_r, uout_r, uidx, urows, sem_u):
    c_id = lax.axis_index("c")
    s_id = lax.axis_index("s")
    wid = s_id * NC + c_id
    base = wid * BPW
    cb = wid * NCH

    pltpu.sync_copy(u3_r.at[pl.ds(cb, NCH)], uidx)
    for c in range(NCH):
        pltpu.async_copy(wu_r.at[uidx.at[c]],
                         urows.at[pl.ds(c * 128, 128)], sem_u)
    pltpu.make_async_copy(wu_r.at[pl.ds(0, BPW)], urows, sem_u).wait()
    pltpu.sync_copy(urows, uout_r.at[pl.ds(base, BPW)])


def _sc_user(user3, W_user_lin):
    mesh = plsc.VectorSubcoreMesh(core_axis_name="c", subcore_axis_name="s")
    return pl.kernel(
        _sc_user_body,
        out_type=jax.ShapeDtypeStruct((B, D), jnp.float32),
        mesh=mesh,
        scratch_types=[
            pltpu.VMEM((NCH, 128), jnp.int32),
            pltpu.VMEM((BPW, D), jnp.float32),
            pltpu.SemaphoreType.DMA,
        ],
        compiler_params=pltpu.CompilerParams(use_tc_tiling_on_sc=False),
    )(user3, W_user_lin)


PBLK = 2048


def _prep_body(kw_r, kwt_r, n0_r):
    kw = kw_r[...]
    kwt_r[...] = kw.T.reshape(HIST, PBLK // 128, 128)
    n0_r[...] = jnp.sum((kw == 0).astype(jnp.float32), axis=1)


def _tc_prep(keyword_ids):
    grid = B // PBLK
    return pl.pallas_call(
        _prep_body,
        grid=(grid,),
        in_specs=[pl.BlockSpec((PBLK, HIST), lambda i: (i, 0))],
        out_specs=[
            pl.BlockSpec((HIST, PBLK // 128, 128), lambda i: (0, i, 0)),
            pl.BlockSpec((PBLK,), lambda i: (i,)),
        ],
        out_shape=[
            jax.ShapeDtypeStruct((HIST, B // 128, 128), jnp.int32),
            jax.ShapeDtypeStruct((B,), jnp.float32),
        ],
    )(keyword_ids)


BLK = 2048


def _tc_body(u_r, ks_r, n0_r, w0_r, w1_r, b1_r, w2_r, b2_r, w3_r, b3_r, out_r):
    u = u_r[...]
    ks = ks_r[...]
    n0 = n0_r[...][:, None]
    cnt = float(HIST) - n0
    row0 = w0_r[...]
    kvec = jnp.where(cnt > 0.0,
                     (ks - n0 * row0) / jnp.maximum(cnt, 1.0),
                     0.0)
    x = jnp.concatenate([u, kvec], axis=1)
    h = lax.dot_general(x, w1_r[...], (((1,), (1,)), ((), ())),
                        preferred_element_type=jnp.float32)
    h = jnp.maximum(h + b1_r[...], 0.0)
    h = lax.dot_general(h, w2_r[...], (((1,), (1,)), ((), ())),
                        preferred_element_type=jnp.float32)
    h = jnp.maximum(h + b2_r[...], 0.0)
    out_r[...] = jnp.sum(h * w3_r[...], axis=1) + b3_r[0, 0]


def _tc_mlp(u_vec, ksum, n0, w0, W1, b1, W2, b2, W3, b3):
    grid = B // BLK
    full = lambda shape: pl.BlockSpec(shape, lambda i: (0,) * len(shape))
    return pl.pallas_call(
        _tc_body,
        grid=(grid,),
        in_specs=[
            pl.BlockSpec((BLK, D), lambda i: (i, 0)),
            pl.BlockSpec((BLK, D), lambda i: (i, 0)),
            pl.BlockSpec((BLK,), lambda i: (i,)),
            full((1, D)),
            full((128, 2 * D)),
            full((1, 128)),
            full((D, 128)),
            full((1, D)),
            full((1, D)),
            full((1, 1)),
        ],
        out_specs=pl.BlockSpec((BLK,), lambda i: (i,)),
        out_shape=jax.ShapeDtypeStruct((B,), jnp.float32),
    )(u_vec, ksum, n0, w0, W1, b1, W2, b2, W3, b3)


@jax.jit
def kernel(user, item, keyword_ids, W_user, W_kw, W1, b1, W2, b2, W3, b3):
    del item
    user3 = user.astype(jnp.int32).reshape(NW * NCH, 128)
    kwt3, n0 = _tc_prep(keyword_ids.astype(jnp.int32))
    Wk_lin = _tc_format(W_kw.T, NUM_KEYWORDS)
    ksum = _sc_bag(kwt3, Wk_lin)
    W_user_b, _ = lax.optimization_barrier((W_user, Wk_lin))
    Wu_lin = _tc_format(W_user_b.T, NUM_USERS)
    u_vec = _sc_user(user3, Wu_lin)
    return _tc_mlp(u_vec, ksum, n0,
                   W_kw[0:1], W1, b1.reshape(1, 128), W2, b2.reshape(1, D),
                   W3, b3.reshape(1, 1))

# --- scband reference (transcript-rebuilt; emitter-appended) ---
"""Pipeline reference for scband-content-aware-net-24154896073440 (READ-ONLY COPY).

The authoritative reference and input builder live on the scoring server;
editing this copy changes nothing except your own understanding.
"""

import jax, jax.numpy as jnp
import numpy as np

NUM_USERS = 1000000
NUM_KEYWORDS = 100000
EMBED_DIM = 64
BATCH = 16384
HIST = 50


def setup_inputs(seed: int = 0) -> dict:
    key = jax.random.key(seed)
    ks = jax.random.split(key, 12)
    user = jax.random.randint(ks[0], (BATCH,), 0, NUM_USERS, dtype=jnp.int64 if jax.config.jax_enable_x64 else jnp.int32)
    item = jax.random.randint(ks[1], (BATCH,), 0, NUM_USERS, dtype=jnp.int64 if jax.config.jax_enable_x64 else jnp.int32)
    keyword_ids = jax.random.randint(ks[2], (BATCH, HIST), 0, NUM_KEYWORDS, dtype=jnp.int64 if jax.config.jax_enable_x64 else jnp.int32)
    # xavier-uniform-like init for parameters
    def xavier(k, shape):
        fan_in, fan_out = shape[1], shape[0]
        bound = float(np.sqrt(6.0 / (fan_in + fan_out)))
        return jax.random.uniform(k, shape, jnp.float32, -bound, bound)
    W_user = xavier(ks[3], (NUM_USERS, EMBED_DIM))
    W_kw = xavier(ks[4], (NUM_KEYWORDS, EMBED_DIM))
    W1 = xavier(ks[5], (128, EMBED_DIM * 2))
    b1 = jnp.zeros((128,), jnp.float32)
    W2 = xavier(ks[6], (64, 128))
    b2 = jnp.zeros((64,), jnp.float32)
    W3 = xavier(ks[7], (1, 64))
    b3 = jnp.zeros((1,), jnp.float32)
    return {"user": user, "item": item, "keyword_ids": keyword_ids,
            "W_user": W_user, "W_kw": W_kw, "W1": W1, "b1": b1,
            "W2": W2, "b2": b2, "W3": W3, "b3": b3}


def reference(user, item, keyword_ids, W_user, W_kw, W1, b1, W2, b2, W3, b3):
    # user embedding gather
    u_vec = jnp.take(W_user, user, axis=0)  # [B, D]
    # EmbeddingBag(mode='mean', padding_idx=0): gather then masked mean,
    # excluding entries equal to padding_idx (0) from both sum and count.
    emb = jnp.take(W_kw, keyword_ids, axis=0)  # [B, L, D]
    mask = (keyword_ids != 0).astype(jnp.float32)[..., None]  # [B, L, 1]
    summed = jnp.sum(emb * mask, axis=1)  # [B, D]
    cnt = jnp.sum(mask, axis=1)  # [B, 1]
    k_vec = jnp.where(cnt > 0, summed / jnp.maximum(cnt, 1.0), 0.0)
    x = jnp.concatenate([u_vec, k_vec], axis=1)  # [B, 2D]
    x = jax.nn.relu(x @ W1.T + b1)
    # dropout is identity in eval/inference
    x = jax.nn.relu(x @ W2.T + b2)
    logits = x @ W3.T + b3  # [B, 1]
    return jnp.squeeze(logits, axis=-1)

if __name__ == "__main__":
    import jax
    _d = setup_inputs()
    print(jax.jit(kernel)(*tuple(_d.values())))

</pallas_src>

<mosaic_0001>
#map = affine_map<(d0, d1) -> (0, 0)>
module attributes {stable_mosaic.version = 14 : i64} {
  func.func @_sc_user_body(%arg0: i32, %arg1: i32, %arg2: memref<128x128xi32, #tpu.memory_space<hbm>>, %arg3: memref<1000000x64xf32, #tpu.memory_space<hbm>>, %arg4: memref<16384x64xf32, #tpu.memory_space<hbm>>, %arg5: memref<4x128xi32, #tpu.memory_space<vmem>>, %arg6: memref<512x64xf32, #tpu.memory_space<vmem>>, %arg7: memref<!tpu.dma_semaphore, #tpu.memory_space<semaphore_mem>>) attributes {dimension_semantics = [#tpu.dimension_semantics<core_parallel>, #tpu.dimension_semantics<subcore_parallel>], iteration_bounds = array<i64: 2, 16>, scalar_prefetch = 0 : i64, scratch_operands = 3 : i64, tpu.core_type = #tpu.core_type<sc_vector_subcore>, window_params = [{transform_indices = #map}, {transform_indices = #map}, {transform_indices = #map}]} {
    %mul3A = arith.constant 2 : i32
    %mul3A_0 = arith.muli %arg1, %mul3A : i32
    %add3A = arith.addi %mul3A_0, %arg0 : i32
    %mul3A_1 = arith.constant 512 : i32
    %mul3A_2 = arith.muli %add3A, %mul3A_1 : i32
    %mul3A_3 = arith.constant 4 : i32
    %mul3A_4 = arith.muli %add3A, %mul3A_3 : i32
    "tpu.region"() ({
      %run_scoped3A = tpu.sem_alloc : memref<!tpu.dma_semaphore, #tpu.memory_space<semaphore_mem>>
      %dma_start3A_49 = arith.constant 0 : i32
      %dma_start3A_50 = tpu.memref_slice %arg2[%mul3A_4, %dma_start3A_49] : memref<128x128xi32, #tpu.memory_space<hbm>> -> memref<4x128xi32, #tpu.memory_space<hbm>>
      %dma_start3A_51 = arith.constant 0 : i32
      %dma_start3A_52 = tpu.memref_slice %arg2[%mul3A_4, %dma_start3A_51] : memref<128x128xi32, #tpu.memory_space<hbm>> -> memref<4x128xi32, #tpu.memory_space<hbm>>
      tpu.enqueue_dma source(%dma_start3A_52 : memref<4x128xi32, #tpu.memory_space<hbm>>) target(%arg5 : memref<4x128xi32, #tpu.memory_space<vmem>>) target_semaphore(%run_scoped3A : memref<!tpu.dma_semaphore, #tpu.memory_space<semaphore_mem>>)
      %dma_wait3A_53 = arith.constant 0 : i32
      %dma_wait3A_54 = tpu.memref_slice %arg2[%mul3A_4, %dma_wait3A_53] : memref<128x128xi32, #tpu.memory_space<hbm>> -> memref<4x128xi32, #tpu.memory_space<hbm>>
      %dma_wait3A_55 = arith.constant 0 : i32
      %dma_wait3A_56 = tpu.memref_slice %arg2[%mul3A_4, %dma_wait3A_55] : memref<128x128xi32, #tpu.memory_space<hbm>> -> memref<4x128xi32, #tpu.memory_space<hbm>>
      tpu.wait_dma2 semaphore(%run_scoped3A : memref<!tpu.dma_semaphore, #tpu.memory_space<semaphore_mem>>) src(%dma_wait3A_56 : memref<4x128xi32, #tpu.memory_space<hbm>>) dst(%arg5 : memref<4x128xi32, #tpu.memory_space<vmem>>)
      tpu.yield
    }) : () -> ()
    %dma_start3A = arith.constant 0 : i32
    %dma_start3A_5 = arith.constant 0 : i32
    %dma_start3A_6 = arith.constant 0 : i32
    %dma_start3A_7 = tpu.memref_slice %arg6[%dma_start3A_5, %dma_start3A_6] : memref<512x64xf32, #tpu.memory_space<vmem>> -> memref<128x64xf32, #tpu.memory_space<vmem>>
    %dma_start3A_8 = arith.constant 0 : i32
    %dma_start3A_9 = tpu.memref_slice %arg5[%dma_start3A, %dma_start3A_8] : memref<4x128xi32, #tpu.memory_space<vmem>> -> memref<1x128xi32, #tpu.memory_space<vmem>>
    %dma_start3A_10 = tpu.memref_squeeze %dma_start3A_9 : memref<1x128xi32, #tpu.memory_space<vmem>> -> memref<128xi32, #tpu.memory_space<vmem>>
    %dma_start3A_11 = arith.constant 0 : i32
    %dma_start3A_12 = arith.constant 0 : i32
    %dma_start3A_13 = tpu.memref_slice %arg3[%dma_start3A_11, %dma_start3A_12] : memref<1000000x64xf32, #tpu.memory_space<hbm>> -> memref<1000000x64xf32, #tpu.memory_space<hbm>>
    tpu.enqueue_indirect_dma source(%dma_start3A_13 : memref<1000000x64xf32, #tpu.memory_space<hbm>>) target(%dma_start3A_7 : memref<128x64xf32, #tpu.memory_space<vmem>>) offsets(%dma_start3A_10 : memref<128xi32, #tpu.memory_space<vmem>>) semaphore(%arg7 : memref<!tpu.dma_semaphore, #tpu.memory_space<semaphore_mem>>)
    %dma_start3A_14 = arith.constant 1 : i32
    %dma_start3A_15 = arith.constant 128 : i32
    %dma_start3A_16 = arith.constant 0 : i32
    %dma_start3A_17 = tpu.memref_slice %arg6[%dma_start3A_15, %dma_start3A_16] : memref<512x64xf32, #tpu.memory_space<vmem>> -> memref<128x64xf32, #tpu.memory_space<vmem>>
    %dma_start3A_18 = arith.constant 0 : i32
    %dma_start3A_19 = tpu.memref_slice %arg5[%dma_start3A_14, %dma_start3A_18] : memref<4x128xi32, #tpu.memory_space<vmem>> -> memref<1x128xi32, #tpu.memory_space<vmem>>
    %dma_start3A_20 = tpu.memref_squeeze %dma_start3A_19 : memref<1x128xi32, #tpu.memory_space<vmem>> -> memref<128xi32, #tpu.memory_space<vmem>>
    %dma_start3A_21 = arith.constant 0 : i32
    %dma_start3A_22 = arith.constant 0 : i32
    %dma_start3A_23 = tpu.memref_slice %arg3[%dma_start3A_21, %dma_start3A_22] : memref<1000000x64xf32, #tpu.memory_space<hbm>> -> memref<1000000x64xf32, #tpu.memory_space<hbm>>
    tpu.enqueue_indirect_dma source(%dma_start3A_23 : memref<1000000x64xf32, #tpu.memory_space<hbm>>) target(%dma_start3A_17 : memref<128x64xf32, #tpu.memory_space<vmem>>) offsets(%dma_start3A_20 : memref<128xi32, #tpu.memory_space<vmem>>) semaphore(%arg7 : memref<!tpu.dma_semaphore, #tpu.memory_space<semaphore_mem>>)
    %dma_start3A_24 = arith.constant 2 : i32
    %dma_start3A_25 = arith.constant 256 : i32
    %dma_start3A_26 = arith.constant 0 : i32
    %dma_start3A_27 = tpu.memref_slice %arg6[%dma_start3A_25, %dma_start3A_26] : memref<512x64xf32, #tpu.memory_space<vmem>> -> memref<128x64xf32, #tpu.memory_space<vmem>>
    %dma_start3A_28 = arith.constant 0 : i32
    %dma_start3A_29 = tpu.memref_slice %arg5[%dma_start3A_24, %dma_start3A_28] : memref<4x128xi32, #tpu.memory_space<vmem>> -> memref<1x128xi32, #tpu.memory_space<vmem>>
    %dma_start3A_30 = tpu.memref_squeeze %dma_start3A_29 : memref<1x128xi32, #tpu.memory_space<vmem>> -> memref<128xi32, #tpu.memory_space<vmem>>
    %dma_start3A_31 = arith.constant 0 : i32
    %dma_start3A_32 = arith.constant 0 : i32
    %dma_start3A_33 = tpu.memref_slice %arg3[%dma_start3A_31, %dma_start3A_32] : memref<1000000x64xf32, #tpu.memory_space<hbm>> -> memref<1000000x64xf32, #tpu.memory_space<hbm>>
    tpu.enqueue_indirect_dma source(%dma_start3A_33 : memref<1000000x64xf32, #tpu.memory_space<hbm>>) target(%dma_start3A_27 : memref<128x64xf32, #tpu.memory_space<vmem>>) offsets(%dma_start3A_30 : memref<128xi32, #tpu.memory_space<vmem>>) semaphore(%arg7 : memref<!tpu.dma_semaphore, #tpu.memory_space<semaphore_mem>>)
    %dma_start3A_34 = arith.constant 3 : i32
    %dma_start3A_35 = arith.constant 384 : i32
    %dma_start3A_36 = arith.constant 0 : i32
    %dma_start3A_37 = tpu.memref_slice %arg6[%dma_start3A_35, %dma_start3A_36] : memref<512x64xf32, #tpu.memory_space<vmem>> -> memref<128x64xf32, #tpu.memory_space<vmem>>
    %dma_start3A_38 = arith.constant 0 : i32
    %dma_start3A_39 = tpu.memref_slice %arg5[%dma_start3A_34, %dma_start3A_38] : memref<4x128xi32, #tpu.memory_space<vmem>> -> memref<1x128xi32, #tpu.memory_space<vmem>>
    %dma_start3A_40 = tpu.memref_squeeze %dma_start3A_39 : memref<1x128xi32, #tpu.memory_space<vmem>> -> memref<128xi32, #tpu.memory_space<vmem>>
    %dma_start3A_41 = arith.constant 0 : i32
    %dma_start3A_42 = arith.constant 0 : i32
    %dma_start3A_43 = tpu.memref_slice %arg3[%dma_start3A_41, %dma_start3A_42] : memref<1000000x64xf32, #tpu.memory_space<hbm>> -> memref<1000000x64xf32, #tpu.memory_space<hbm>>
    tpu.enqueue_indirect_dma source(%dma_start3A_43 : memref<1000000x64xf32, #tpu.memory_space<hbm>>) target(%dma_start3A_37 : memref<128x64xf32, #tpu.memory_space<vmem>>) offsets(%dma_start3A_40 : memref<128xi32, #tpu.memory_space<vmem>>) semaphore(%arg7 : memref<!tpu.dma_semaphore, #tpu.memory_space<semaphore_mem>>)
    %dma_wait3A = arith.constant 0 : i32
    %dma_wait3A_44 = arith.constant 0 : i32
    %dma_wait3A_45 = tpu.memref_slice %arg3[%dma_wait3A, %dma_wait3A_44] : memref<1000000x64xf32, #tpu.memory_space<hbm>> -> memref<512x64xf32, #tpu.memory_space<hbm>>
    %dma_wait3A_46 = arith.constant 0 : i32
    %dma_wait3A_47 = arith.constant 0 : i32
    %dma_wait3A_48 = tpu.memref_slice %arg3[%dma_wait3A_46, %dma_wait3A_47] : memref<1000000x64xf32, #tpu.memory_space<hbm>> -> memref<512x64xf32, #tpu.memory_space<hbm>>
    tpu.wait_dma2 semaphore(%arg7 : memref<!tpu.dma_semaphore, #tpu.memory_space<semaphore_mem>>) src(%dma_wait3A_48 : memref<512x64xf32, #tpu.memory_space<hbm>>) dst(%arg6 : memref<512x64xf32, #tpu.memory_space<vmem>>)
    "tpu.region"() ({
      %run_scoped3A = tpu.sem_alloc : memref<!tpu.dma_semaphore, #tpu.memory_space<semaphore_mem>>
      %dma_start3A_49 = arith.constant 0 : i32
      %dma_start3A_50 = tpu.memref_slice %arg4[%mul3A_2, %dma_start3A_49] : memref<16384x64xf32, #tpu.memory_space<hbm>> -> memref<512x64xf32, #tpu.memory_space<hbm>>
      %dma_start3A_51 = arith.constant 0 : i32
      %dma_start3A_52 = tpu.memref_slice %arg4[%mul3A_2, %dma_start3A_51] : memref<16384x64xf32, #tpu.memory_space<hbm>> -> memref<512x64xf32, #tpu.memory_space<hbm>>
      tpu.enqueue_dma source(%arg6 : memref<512x64xf32, #tpu.memory_space<vmem>>) target(%dma_start3A_52 : memref<512x64xf32, #tpu.memory_space<hbm>>) target_semaphore(%run_scoped3A : memref<!tpu.dma_semaphore, #tpu.memory_space<semaphore_mem>>)
      %dma_wait3A_53 = arith.constant 0 : i32
      %dma_wait3A_54 = tpu.memref_slice %arg4[%mul3A_2, %dma_wait3A_53] : memref<16384x64xf32, #tpu.memory_space<hbm>> -> memref<512x64xf32, #tpu.memory_space<hbm>>
      %dma_wait3A_55 = arith.constant 0 : i32
      %dma_wait3A_56 = tpu.memref_slice %arg4[%mul3A_2, %dma_wait3A_55] : memref<16384x64xf32, #tpu.memory_space<hbm>> -> memref<512x64xf32, #tpu.memory_space<hbm>>
      tpu.wait_dma2 semaphore(%run_scoped3A : memref<!tpu.dma_semaphore, #tpu.memory_space<semaphore_mem>>) src(%arg6 : memref<512x64xf32, #tpu.memory_space<vmem>>) dst(%dma_wait3A_56 : memref<512x64xf32, #tpu.memory_space<hbm>>)
      tpu.yield
    }) : () -> ()
    return
  }
}

#map = affine_map<(d0, d1) -> (0, 0, 0)>
#map1 = affine_map<(d0, d1) -> (0, 0)>
module attributes {stable_mosaic.version = 14 : i64} {
  func.func @_sc_bag_body(%arg0: i32, %arg1: i32, %arg2: memref<50x128x128xi32, #tpu.memory_space<hbm>>, %arg3: memref<100000x64xf32, #tpu.memory_space<hbm>>, %arg4: memref<16384x64xf32, #tpu.memory_space<hbm>>, %arg5: memref<50x4x128xi32, #tpu.memory_space<vmem>>, %arg6: memref<512x64xf32, #tpu.memory_space<vmem>>, %arg7: memref<!tpu.dma_semaphore, #tpu.memory_space<semaphore_mem>>) attributes {dimension_semantics = [#tpu.dimension_semantics<core_parallel>, #tpu.dimension_semantics<subcore_parallel>], iteration_bounds = array<i64: 2, 16>, scalar_prefetch = 0 : i64, scratch_operands = 3 : i64, tpu.core_type = #tpu.core_type<sc_vector_subcore>, window_params = [{transform_indices = #map}, {transform_indices = #map1}, {transform_indices = #map1}]} {
    %mul3A = arith.constant 2 : i32
    %mul3A_0 = arith.muli %arg1, %mul3A : i32
    %add3A = arith.addi %mul3A_0, %arg0 : i32
    %mul3A_1 = arith.constant 512 : i32
    %mul3A_2 = arith.muli %add3A, %mul3A_1 : i32
    %mul3A_3 = arith.constant 4 : i32
    %mul3A_4 = arith.muli %add3A, %mul3A_3 : i32
    "tpu.region"() ({
      %run_scoped3A = tpu.sem_alloc : memref<!tpu.dma_semaphore, #tpu.memory_space<semaphore_mem>>
      %dma_start3A_64 = arith.constant 0 : i32
      %dma_start3A_65 = arith.constant 0 : i32
      %dma_start3A_66 = tpu.memref_slice %arg2[%dma_start3A_64, %mul3A_4, %dma_start3A_65] : memref<50x128x128xi32, #tpu.memory_space<hbm>> -> memref<50x4x128xi32, #tpu.memory_space<hbm>>
      %dma_start3A_67 = arith.constant 0 : i32
      %dma_start3A_68 = arith.constant 0 : i32
      %dma_start3A_69 = tpu.memref_slice %arg2[%dma_start3A_67, %mul3A_4, %dma_start3A_68] : memref<50x128x128xi32, #tpu.memory_space<hbm>> -> memref<50x4x128xi32, #tpu.memory_space<hbm>>
      tpu.enqueue_dma source(%dma_start3A_69 : memref<50x4x128xi32, #tpu.memory_space<hbm>>) target(%arg5 : memref<50x4x128xi32, #tpu.memory_space<vmem>>) target_semaphore(%run_scoped3A : memref<!tpu.dma_semaphore, #tpu.memory_space<semaphore_mem>>)
      %dma_wait3A_70 = arith.constant 0 : i32
      %dma_wait3A_71 = arith.constant 0 : i32
      %dma_wait3A_72 = tpu.memref_slice %arg2[%dma_wait3A_70, %mul3A_4, %dma_wait3A_71] : memref<50x128x128xi32, #tpu.memory_space<hbm>> -> memref<50x4x128xi32, #tpu.memory_space<hbm>>
      %dma_wait3A_73 = arith.constant 0 : i32
      %dma_wait3A_74 = arith.constant 0 : i32
      %dma_wait3A_75 = tpu.memref_slice %arg2[%dma_wait3A_73, %mul3A_4, %dma_wait3A_74] : memref<50x128x128xi32, #tpu.memory_space<hbm>> -> memref<50x4x128xi32, #tpu.memory_space<hbm>>
      tpu.wait_dma2 semaphore(%run_scoped3A : memref<!tpu.dma_semaphore, #tpu.memory_space<semaphore_mem>>) src(%dma_wait3A_75 : memref<50x4x128xi32, #tpu.memory_space<hbm>>) dst(%arg5 : memref<50x4x128xi32, #tpu.memory_space<vmem>>)
      tpu.yield
    }) : () -> ()
    %dma_start3A = arith.constant 0 : i32
    %dma_start3A_5 = arith.constant 0 : i32
    %dma_start3A_6 = arith.constant 0 : i32
    %dma_start3A_7 = arith.constant 0 : i32
    %dma_start3A_8 = tpu.memref_slice %arg6[%dma_start3A_6, %dma_start3A_7] : memref<512x64xf32, #tpu.memory_space<vmem>> -> memref<128x64xf32, #tpu.memory_space<vmem>>
    %dma_start3A_9 = arith.constant 0 : i32
    %dma_start3A_10 = tpu.memref_slice %arg5[%dma_start3A, %dma_start3A_5, %dma_start3A_9] : memref<50x4x128xi32, #tpu.memory_space<vmem>> -> memref<1x1x128xi32, #tpu.memory_space<vmem>>
    %dma_start3A_11 = tpu.memref_squeeze %dma_start3A_10 : memref<1x1x128xi32, #tpu.memory_space<vmem>> -> memref<128xi32, #tpu.memory_space<vmem>>
    %dma_start3A_12 = arith.constant 0 : i32
    %dma_start3A_13 = arith.constant 0 : i32
    %dma_start3A_14 = tpu.memref_slice %arg3[%dma_start3A_12, %dma_start3A_13] : memref<100000x64xf32, #tpu.memory_space<hbm>> -> memref<100000x64xf32, #tpu.memory_space<hbm>>
    tpu.enqueue_indirect_dma source(%dma_start3A_14 : memref<100000x64xf32, #tpu.memory_space<hbm>>) target(%dma_start3A_8 : memref<128x64xf32, #tpu.memory_space<vmem>>) offsets(%dma_start3A_11 : memref<128xi32, #tpu.memory_space<vmem>>) semaphore(%arg7 : memref<!tpu.dma_semaphore, #tpu.memory_space<semaphore_mem>>)
    %dma_start3A_15 = arith.constant 0 : i32
    %dma_start3A_16 = arith.constant 1 : i32
    %dma_start3A_17 = arith.constant 128 : i32
    %dma_start3A_18 = arith.constant 0 : i32
    %dma_start3A_19 = tpu.memref_slice %arg6[%dma_start3A_17, %dma_start3A_18] : memref<512x64xf32, #tpu.memory_space<vmem>> -> memref<128x64xf32, #tpu.memory_space<vmem>>
    %dma_start3A_20 = arith.constant 0 : i32
    %dma_start3A_21 = tpu.memref_slice %arg5[%dma_start3A_15, %dma_start3A_16, %dma_start3A_20] : memref<50x4x128xi32, #tpu.memory_space<vmem>> -> memref<1x1x128xi32, #tpu.memory_space<vmem>>
    %dma_start3A_22 = tpu.memref_squeeze %dma_start3A_21 : memref<1x1x128xi32, #tpu.memory_space<vmem>> -> memref<128xi32, #tpu.memory_space<vmem>>
    %dma_start3A_23 = arith.constant 0 : i32
    %dma_start3A_24 = arith.constant 0 : i32
    %dma_start3A_25 = tpu.memref_slice %arg3[%dma_start3A_23, %dma_start3A_24] : memref<100000x64xf32, #tpu.memory_space<hbm>> -> memref<100000x64xf32, #tpu.memory_space<hbm>>
    tpu.enqueue_indirect_dma source(%dma_start3A_25 : memref<100000x64xf32, #tpu.memory_space<hbm>>) target(%dma_start3A_19 : memref<128x64xf32, #tpu.memory_space<vmem>>) offsets(%dma_start3A_22 : memref<128xi32, #tpu.memory_space<vmem>>) semaphore(%arg7 : memref<!tpu.dma_semaphore, #tpu.memory_space<semaphore_mem>>)
    %dma_start3A_26 = arith.constant 0 : i32
    %dma_start3A_27 = arith.constant 2 : i32
    %dma_start3A_28 = arith.constant 256 : i32
    %dma_start3A_29 = arith.constant 0 : i32
    %dma_start3A_30 = tpu.memref_slice %arg6[%dma_start3A_28, %dma_start3A_29] : memref<512x64xf32, #tpu.memory_space<vmem>> -> memref<128x64xf32, #tpu.memory_space<vmem>>
    %dma_start3A_31 = arith.constant 0 : i32
    %dma_start3A_32 = tpu.memref_slice %arg5[%dma_start3A_26, %dma_start3A_27, %dma_start3A_31] : memref<50x4x128xi32, #tpu.memory_space<vmem>> -> memref<1x1x128xi32, #tpu.memory_space<vmem>>
    %dma_start3A_33 = tpu.memref_squeeze %dma_start3A_32 : memref<1x1x128xi32, #tpu.memory_space<vmem>> -> memref<128xi32, #tpu.memory_space<vmem>>
    %dma_start3A_34 = arith.constant 0 : i32
    %dma_start3A_35 = arith.constant 0 : i32
    %dma_start3A_36 = tpu.memref_slice %arg3[%dma_start3A_34, %dma_start3A_35] : memref<100000x64xf32, #tpu.memory_space<hbm>> -> memref<100000x64xf32, #tpu.memory_space<hbm>>
    tpu.enqueue_indirect_dma source(%dma_start3A_36 : memref<100000x64xf32, #tpu.memory_space<hbm>>) target(%dma_start3A_30 : memref<128x64xf32, #tpu.memory_space<vmem>>) offsets(%dma_start3A_33 : memref<128xi32, #tpu.memory_space<vmem>>) semaphore(%arg7 : memref<!tpu.dma_semaphore, #tpu.memory_space<semaphore_mem>>)
    %dma_start3A_37 = arith.constant 0 : i32
    %dma_start3A_38 = arith.constant 3 : i32
    %dma_start3A_39 = arith.constant 384 : i32
    %dma_start3A_40 = arith.constant 0 : i32
    %dma_start3A_41 = tpu.memref_slice %arg6[%dma_start3A_39, %dma_start3A_40] : memref<512x64xf32, #tpu.memory_space<vmem>> -> memref<128x64xf32, #tpu.memory_space<vmem>>
    %dma_start3A_42 = arith.constant 0 : i32
    %dma_start3A_43 = tpu.memref_slice %arg5[%dma_start3A_37, %dma_start3A_38, %dma_start3A_42] : memref<50x4x128xi32, #tpu.memory_space<vmem>> -> memref<1x1x128xi32, #tpu.memory_space<vmem>>
    %dma_start3A_44 = tpu.memref_squeeze %dma_start3A_43 : memref<1x1x128xi32, #tpu.memory_space<vmem>> -> memref<128xi32, #tpu.memory_space<vmem>>
    %dma_start3A_45 = arith.constant 0 : i32
    %dma_start3A_46 = arith.constant 0 : i32
    %dma_start3A_47 = tpu.memref_slice %arg3[%dma_start3A_45, %dma_start3A_46] : memref<100000x64xf32, #tpu.memory_space<hbm>> -> memref<100000x64xf32, #tpu.memory_space<hbm>>
    tpu.enqueue_indirect_dma source(%dma_start3A_47 : memref<100000x64xf32, #tpu.memory_space<hbm>>) target(%dma_start3A_41 : memref<128x64xf32, #tpu.memory_space<vmem>>) offsets(%dma_start3A_44 : memref<128xi32, #tpu.memory_space<vmem>>) semaphore(%arg7 : memref<!tpu.dma_semaphore, #tpu.memory_space<semaphore_mem>>)
    %dma_wait3A = arith.constant 0 : i32
    %dma_wait3A_48 = arith.constant 0 : i32
    %dma_wait3A_49 = tpu.memref_slice %arg3[%dma_wait3A, %dma_wait3A_48] : memref<100000x64xf32, #tpu.memory_space<hbm>> -> memref<512x64xf32, #tpu.memory_space<hbm>>
    %dma_wait3A_50 = arith.constant 0 : i32
    %dma_wait3A_51 = arith.constant 0 : i32
    %dma_wait3A_52 = tpu.memref_slice %arg3[%dma_wait3A_50, %dma_wait3A_51] : memref<100000x64xf32, #tpu.memory_space<hbm>> -> memref<512x64xf32, #tpu.memory_space<hbm>>
    tpu.wait_dma2 semaphore(%arg7 : memref<!tpu.dma_semaphore, #tpu.memory_space<semaphore_mem>>) src(%dma_wait3A_52 : memref<512x64xf32, #tpu.memory_space<hbm>>) dst(%arg6 : memref<512x64xf32, #tpu.memory_space<vmem>>)
    %scan3A = arith.constant 0 : i32
    %scan3A_53 = arith.constant 1 : i32
    %scan3A_54 = arith.constant 49 : i32
    %scan3A_55 = arith.addi %scan3A_53, %scan3A_54 : i32
    %scan3A_56 = arith.constant 1 : i32
    scf.for %scan3A_64 = %scan3A_53 to %scan3A_55 step %scan3A_56  : i32 {
      %dma_start3A_65 = arith.constant 0 : i32
      %dma_start3A_66 = arith.constant 0 : i32
      %dma_start3A_67 = arith.constant 0 : i32
      %dma_start3A_68 = tpu.memref_slice %arg6[%dma_start3A_66, %dma_start3A_67] : memref<512x64xf32, #tpu.memory_space<vmem>> -> memref<128x64xf32, #tpu.memory_space<vmem>>
      %dma_start3A_69 = arith.constant 0 : i32
      %dma_start3A_70 = tpu.memref_slice %arg5[%scan3A_64, %dma_start3A_65, %dma_start3A_69] : memref<50x4x128xi32, #tpu.memory_space<vmem>> -> memref<1x1x128xi32, #tpu.memory_space<vmem>>
      %dma_start3A_71 = tpu.memref_squeeze %dma_start3A_70 : memref<1x1x128xi32, #tpu.memory_space<vmem>> -> memref<128xi32, #tpu.memory_space<vmem>>
      %dma_start3A_72 = arith.constant 0 : i32
      %dma_start3A_73 = arith.constant 0 : i32
      %dma_start3A_74 = tpu.memref_slice %arg3[%dma_start3A_72, %dma_start3A_73] : memref<100000x64xf32, #tpu.memory_space<hbm>> -> memref<100000x64xf32, #tpu.memory_space<hbm>>
      tpu.enqueue_indirect_dma source(%dma_start3A_74 : memref<100000x64xf32, #tpu.memory_space<hbm>>) target(%dma_start3A_68 : memref<128x64xf32, #tpu.memory_space<vmem>>) offsets(%dma_start3A_71 : memref<128xi32, #tpu.memory_space<vmem>>) semaphore(%arg7 : memref<!tpu.dma_semaphore, #tpu.memory_space<semaphore_mem>>) {add = true}
      %dma_start3A_75 = arith.constant 1 : i32
      %dma_start3A_76 = arith.constant 128 : i32
      %dma_start3A_77 = arith.constant 0 : i32
      %dma_start3A_78 = tpu.memref_slice %arg6[%dma_start3A_76, %dma_start3A_77] : memref<512x64xf32, #tpu.memory_space<vmem>> -> memref<128x64xf32, #tpu.memory_space<vmem>>
      %dma_start3A_79 = arith.constant 0 : i32
      %dma_start3A_80 = tpu.memref_slice %arg5[%scan3A_64, %dma_start3A_75, %dma_start3A_79] : memref<50x4x128xi32, #tpu.memory_space<vmem>> -> memref<1x1x128xi32, #tpu.memory_space<vmem>>
      %dma_start3A_81 = tpu.memref_squeeze %dma_start3A_80 : memref<1x1x128xi32, #tpu.memory_space<vmem>> -> memref<128xi32, #tpu.memory_space<vmem>>
      %dma_start3A_82 = arith.constant 0 : i32
      %dma_start3A_83 = arith.constant 0 : i32
      %dma_start3A_84 = tpu.memref_slice %arg3[%dma_start3A_82, %dma_start3A_83] : memref<100000x64xf32, #tpu.memory_space<hbm>> -> memref<100000x64xf32, #tpu.memory_space<hbm>>
      tpu.enqueue_indirect_dma source(%dma_start3A_84 : memref<100000x64xf32, #tpu.memory_space<hbm>>) target(%dma_start3A_78 : memref<128x64xf32, #tpu.memory_space<vmem>>) offsets(%dma_start3A_81 : memref<128xi32, #tpu.memory_space<vmem>>) semaphore(%arg7 : memref<!tpu.dma_semaphore, #tpu.memory_space<semaphore_mem>>) {add = true}
      %dma_start3A_85 = arith.constant 2 : i32
      %dma_start3A_86 = arith.constant 256 : i32
      %dma_start3A_87 = arith.constant 0 : i32
      %dma_start3A_88 = tpu.memref_slice %arg6[%dma_start3A_86, %dma_start3A_87] : memref<512x64xf32, #tpu.memory_space<vmem>> -> memref<128x64xf32, #tpu.memory_space<vmem>>
      %dma_start3A_89 = arith.constant 0 : i32
      %dma_start3A_90 = tpu.memref_slice %arg5[%scan3A_64, %dma_start3A_85, %dma_start3A_89] : memref<50x4x128xi32, #tpu.memory_space<vmem>> -> memref<1x1x128xi32, #tpu.memory_space<vmem>>
      %dma_start3A_91 = tpu.memref_squeeze %dma_start3A_90 : memref<1x1x128xi32, #tpu.memory_space<vmem>> -> memref<128xi32, #tpu.memory_space<vmem>>
      %dma_start3A_92 = arith.constant 0 : i32
      %dma_start3A_93 = arith.constant 0 : i32
      %dma_start3A_94 = tpu.memref_slice %arg3[%dma_start3A_92, %dma_start3A_93] : memref<100000x64xf32, #tpu.memory_space<hbm>> -> memref<100000x64xf32, #tpu.memory_space<hbm>>
      tpu.enqueue_indirect_dma source(%dma_start3A_94 : memref<100000x64xf32, #tpu.memory_space<hbm>>) target(%dma_start3A_88 : memref<128x64xf32, #tpu.memory_space<vmem>>) offsets(%dma_start3A_91 : memref<128xi32, #tpu.memory_space<vmem>>) semaphore(%arg7 : memref<!tpu.dma_semaphore, #tpu.memory_space<semaphore_mem>>) {add = true}
      %dma_start3A_95 = arith.constant 3 : i32
      %dma_start3A_96 = arith.constant 384 : i32
      %dma_start3A_97 = arith.constant 0 : i32
      %dma_start3A_98 = tpu.memref_slice %arg6[%dma_start3A_96, %dma_start3A_97] : memref<512x64xf32, #tpu.memory_space<vmem>> -> memref<128x64xf32, #tpu.memory_space<vmem>>
      %dma_start3A_99 = arith.constant 0 : i32
      %dma_start3A_100 = tpu.memref_slice %arg5[%scan3A_64, %dma_start3A_95, %dma_start3A_99] : memref<50x4x128xi32, #tpu.memory_space<vmem>> -> memref<1x1x128xi32, #tpu.memory_space<vmem>>
      %dma_start3A_101 = tpu.memref_squeeze %dma_start3A_100 : memref<1x1x128xi32, #tpu.memory_space<vmem>> -> memref<128xi32, #tpu.memory_space<vmem>>
      %dma_start3A_102 = arith.constant 0 : i32
      %dma_start3A_103 = arith.constant 0 : i32
      %dma_start3A_104 = tpu.memref_slice %arg3[%dma_start3A_102, %dma_start3A_103] : memref<100000x64xf32, #tpu.memory_space<hbm>> -> memref<100000x64xf32, #tpu.memory_space<hbm>>
      tpu.enqueue_indirect_dma source(%dma_start3A_104 : memref<100000x64xf32, #tpu.memory_space<hbm>>) target(%dma_start3A_98 : memref<128x64xf32, #tpu.memory_space<vmem>>) offsets(%dma_start3A_101 : memref<128xi32, #tpu.memory_space<vmem>>) semaphore(%arg7 : memref<!tpu.dma_semaphore, #tpu.memory_space<semaphore_mem>>) {add = true}
    }
    %scan3A_57 = arith.constant 49 : i32
    %scan3A_58 = arith.constant 0 : i32
    %scan3A_59 = arith.constant 1 : i32
    %scan3A_60 = arith.constant 49 : i32
    %scan3A_61 = arith.addi %scan3A_59, %scan3A_60 : i32
    %scan3A_62 = arith.constant 1 : i32
    scf.for %scan3A_64 = %scan3A_59 to %scan3A_61 step %scan3A_62  : i32 {
      %dma_wait3A_65 = arith.constant 0 : i32
      %dma_wait3A_66 = arith.constant 0 : i32
      %dma_wait3A_67 = tpu.memref_slice %arg3[%dma_wait3A_65, %dma_wait3A_66] : memref<100000x64xf32, #tpu.memory_space<hbm>> -> memref<512x64xf32, #tpu.memory_space<hbm>>
      %dma_wait3A_68 = arith.constant 0 : i32
      %dma_wait3A_69 = arith.constant 0 : i32
      %dma_wait3A_70 = tpu.memref_slice %arg3[%dma_wait3A_68, %dma_wait3A_69] : memref<100000x64xf32, #tpu.memory_space<hbm>> -> memref<512x64xf32, #tpu.memory_space<hbm>>
      tpu.wait_dma2 semaphore(%arg7 : memref<!tpu.dma_semaphore, #tpu.memory_space<semaphore_mem>>) src(%dma_wait3A_70 : memref<512x64xf32, #tpu.memory_space<hbm>>) dst(%arg6 : memref<512x64xf32, #tpu.memory_space<vmem>>)
    }
    %scan3A_63 = arith.constant 49 : i32
    "tpu.region"() ({
      %run_scoped3A = tpu.sem_alloc : memref<!tpu.dma_semaphore, #tpu.memory_space<semaphore_mem>>
      %dma_start3A_64 = arith.constant 0 : i32
      %dma_start3A_65 = tpu.memref_slice %arg4[%mul3A_2, %dma_start3A_64] : memref<16384x64xf32, #tpu.memory_space<hbm>> -> memref<512x64xf32, #tpu.memory_space<hbm>>
      %dma_start3A_66 = arith.constant 0 : i32
      %dma_start3A_67 = tpu.memref_slice %arg4[%mul3A_2, %dma_start3A_66] : memref<16384x64xf32, #tpu.memory_space<hbm>> -> memref<512x64xf32, #tpu.memory_space<hbm>>
      tpu.enqueue_dma source(%arg6 : memref<512x64xf32, #tpu.memory_space<vmem>>) target(%dma_start3A_67 : memref<512x64xf32, #tpu.memory_space<hbm>>) target_semaphore(%run_scoped3A : memref<!tpu.dma_semaphore, #tpu.memory_space<semaphore_mem>>)
      %dma_wait3A_68 = arith.constant 0 : i32
      %dma_wait3A_69 = tpu.memref_slice %arg4[%mul3A_2, %dma_wait3A_68] : memref<16384x64xf32, #tpu.memory_space<hbm>> -> memref<512x64xf32, #tpu.memory_space<hbm>>
      %dma_wait3A_70 = arith.constant 0 : i32
      %dma_wait3A_71 = tpu.memref_slice %arg4[%mul3A_2, %dma_wait3A_70] : memref<16384x64xf32, #tpu.memory_space<hbm>> -> memref<512x64xf32, #tpu.memory_space<hbm>>
      tpu.wait_dma2 semaphore(%run_scoped3A : memref<!tpu.dma_semaphore, #tpu.memory_space<semaphore_mem>>) src(%arg6 : memref<512x64xf32, #tpu.memory_space<vmem>>) dst(%dma_wait3A_71 : memref<512x64xf32, #tpu.memory_space<hbm>>)
      tpu.yield
    }) : () -> ()
    return
  }
}

module attributes {stable_mosaic.version = 14 : i64} {
  func.func @_fmt_body(%arg0: i32, %arg1: memref<64x4096xf32, #tpu.memory_space<vmem>>, %arg2: memref<2048x128xf32, #tpu.memory_space<vmem>>) attributes {dimension_semantics = [#tpu.dimension_semantics<arbitrary>], iteration_bounds = array<i64: 25>, scalar_prefetch = 0 : i64, scratch_operands = 0 : i64, tpu.core_type = #tpu.core_type<tc>, window_params = [{transform_indices = @transform_0, window_bounds = array<i64: 64, 4096>}, {transform_indices = @transform_1, window_bounds = array<i64: 2048, 128>}]} {
    %get3A = arith.constant 0 : index
    %get3A_0 = arith.constant 0 : index
    %get3A_1 = vector.load %arg1[%get3A, %get3A_0] : memref<64x4096xf32, #tpu.memory_space<vmem>>, vector<64x4096xf32>
    %transpose3A = tpu.transpose %get3A_1, [1, 0] : vector<64x4096xf32> -> vector<4096x64xf32>
    %reshape3A = vector.shape_cast %transpose3A : vector<4096x64xf32> to vector<2048x2x64xf32>
    %slice3A = vector.extract_strided_slice %reshape3A {offsets = [0, 0, 0], sizes = [2048, 1, 64], strides = [1, 1, 1]} : vector<2048x2x64xf32> to vector<2048x1x64xf32>
    %squeeze3A = vector.shape_cast %slice3A : vector<2048x1x64xf32> to vector<2048x64xf32>
    %slice3A_2 = vector.extract_strided_slice %reshape3A {offsets = [0, 1, 0], sizes = [2048, 1, 64], strides = [1, 1, 1]} : vector<2048x2x64xf32> to vector<2048x1x64xf32>
    %squeeze3A_3 = vector.shape_cast %slice3A_2 : vector<2048x1x64xf32> to vector<2048x64xf32>
    %concatenate3A = tpu.concatenate %squeeze3A, %squeeze3A_3 in 1 : vector<2048x64xf32>, vector<2048x64xf32> -> vector<2048x128xf32>
    %swap3A = arith.constant 0 : index
    %swap3A_4 = arith.constant 0 : index
    %swap3A_5 = vector.load %arg2[%swap3A, %swap3A_4] : memref<2048x128xf32, #tpu.memory_space<vmem>>, vector<2048x128xf32>
    tpu.vector_store %arg2[%swap3A, %swap3A_4], %concatenate3A {strides = array<i32>} : memref<2048x128xf32, #tpu.memory_space<vmem>>, vector<2048x128xf32>,
    return
  }
  func.func @transform_0(%arg0: i32) -> (i32, i32) {
    %c0_i32 = arith.constant 0 : i32
    %c0_i32_0 = arith.constant 0 : i32
    return %c0_i32, %arg0 : i32, i32
  }
  func.func @transform_1(%arg0: i32) -> (i32, i32) {
    %c0_i32 = arith.constant 0 : i32
    %c0_i32_0 = arith.constant 0 : i32
    return %arg0, %c0_i32 : i32, i32
  }
}

module attributes {stable_mosaic.version = 14 : i64} {
  func.func @_fmt_body(%arg0: i32, %arg1: memref<64x4096xf32, #tpu.memory_space<vmem>>, %arg2: memref<2048x128xf32, #tpu.memory_space<vmem>>) attributes {dimension_semantics = [#tpu.dimension_semantics<arbitrary>], iteration_bounds = array<i64: 245>, scalar_prefetch = 0 : i64, scratch_operands = 0 : i64, tpu.core_type = #tpu.core_type<tc>, window_params = [{transform_indices = @transform_0, window_bounds = array<i64: 64, 4096>}, {transform_indices = @transform_1, window_bounds = array<i64: 2048, 128>}]} {
    %get3A = arith.constant 0 : index
    %get3A_0 = arith.constant 0 : index
    %get3A_1 = vector.load %arg1[%get3A, %get3A_0] : memref<64x4096xf32, #tpu.memory_space<vmem>>, vector<64x4096xf32>
    %transpose3A = tpu.transpose %get3A_1, [1, 0] : vector<64x4096xf32> -> vector<4096x64xf32>
    %reshape3A = vector.shape_cast %transpose3A : vector<4096x64xf32> to vector<2048x2x64xf32>
    %slice3A = vector.extract_strided_slice %reshape3A {offsets = [0, 0, 0], sizes = [2048, 1, 64], strides = [1, 1, 1]} : vector<2048x2x64xf32> to vector<2048x1x64xf32>
    %squeeze3A = vector.shape_cast %slice3A : vector<2048x1x64xf32> to vector<2048x64xf32>
    %slice3A_2 = vector.extract_strided_slice %reshape3A {offsets = [0, 1, 0], sizes = [2048, 1, 64], strides = [1, 1, 1]} : vector<2048x2x64xf32> to vector<2048x1x64xf32>
    %squeeze3A_3 = vector.shape_cast %slice3A_2 : vector<2048x1x64xf32> to vector<2048x64xf32>
    %concatenate3A = tpu.concatenate %squeeze3A, %squeeze3A_3 in 1 : vector<2048x64xf32>, vector<2048x64xf32> -> vector<2048x128xf32>
    %swap3A = arith.constant 0 : index
    %swap3A_4 = arith.constant 0 : index
    %swap3A_5 = vector.load %arg2[%swap3A, %swap3A_4] : memref<2048x128xf32, #tpu.memory_space<vmem>>, vector<2048x128xf32>
    tpu.vector_store %arg2[%swap3A, %swap3A_4], %concatenate3A {strides = array<i32>} : memref<2048x128xf32, #tpu.memory_space<vmem>>, vector<2048x128xf32>,
    return
  }
  func.func @transform_0(%arg0: i32) -> (i32, i32) {
    %c0_i32 = arith.constant 0 : i32
    %c0_i32_0 = arith.constant 0 : i32
    return %c0_i32, %arg0 : i32, i32
  }
  func.func @transform_1(%arg0: i32) -> (i32, i32) {
    %c0_i32 = arith.constant 0 : i32
    %c0_i32_0 = arith.constant 0 : i32
    return %arg0, %c0_i32 : i32, i32
  }
}

module attributes {stable_mosaic.version = 14 : i64} {
  func.func @_prep_body(%arg0: i32, %arg1: memref<2048x50xi32, #tpu.memory_space<vmem>>, %arg2: memref<50x16x128xi32, #tpu.memory_space<vmem>>, %arg3: memref<2048xf32, #tpu.memory_space<vmem>>) attributes {dimension_semantics = [#tpu.dimension_semantics<arbitrary>], iteration_bounds = array<i64: 8>, scalar_prefetch = 0 : i64, scratch_operands = 0 : i64, tpu.core_type = #tpu.core_type<tc>, window_params = [{transform_indices = @transform_0, window_bounds = array<i64: 2048, 50>}, {transform_indices = @transform_1, window_bounds = array<i64: 50, 16, 128>}, {transform_indices = @transform_2, window_bounds = array<i64: 2048>}]} {
    %get3A = arith.constant 0 : index
    %get3A_0 = arith.constant 0 : index
    %get3A_1 = vector.load %arg1[%get3A, %get3A_0] : memref<2048x50xi32, #tpu.memory_space<vmem>>, vector<2048x50xi32>
    %transpose3A = tpu.transpose %get3A_1, [1, 0] : vector<2048x50xi32> -> vector<50x2048xi32>
    %reshape3A = vector.shape_cast %transpose3A : vector<50x2048xi32> to vector<50x16x128xi32>
    %swap3A = arith.constant 0 : index
    %swap3A_2 = arith.constant 0 : index
    %swap3A_3 = arith.constant 0 : index
    %swap3A_4 = vector.load %arg2[%swap3A, %swap3A_2, %swap3A_3] : memref<50x16x128xi32, #tpu.memory_space<vmem>>, vector<50x16x128xi32>
    tpu.vector_store %arg2[%swap3A, %swap3A_2, %swap3A_3], %reshape3A {strides = array<i32>} : memref<50x16x128xi32, #tpu.memory_space<vmem>>, vector<50x16x128xi32>,
    %eq3A = arith.constant 0 : i32
    %eq3A_5 = vector.broadcast %eq3A : i32 to vector<2048x50xi32>
    %eq3A_6 = arith.cmpi eq, %get3A_1, %eq3A_5 : vector<2048x50xi32>
    %convert_element_type3A = arith.extui %eq3A_6 : vector<2048x50xi1> to vector<2048x50xi32>
    %convert_element_type3A_7 = arith.sitofp %convert_element_type3A : vector<2048x50xi32> to vector<2048x50xf32>
    %reduce_sum3A = arith.constant dense<0.000000e+00> : vector<2048xf32>
    %reduce_sum3A_8 = vector.multi_reduction <add>, %convert_element_type3A_7, %reduce_sum3A [1] : vector<2048x50xf32> to vector<2048xf32>
    %swap3A_9 = arith.constant 0 : index
    %swap3A_10 = vector.load %arg3[%swap3A_9] : memref<2048xf32, #tpu.memory_space<vmem>>, vector<2048xf32>
    tpu.vector_store %arg3[%swap3A_9], %reduce_sum3A_8 {strides = array<i32>} : memref<2048xf32, #tpu.memory_space<vmem>>, vector<2048xf32>,
    return
  }
  func.func @transform_0(%arg0: i32) -> (i32, i32) {
    %c0_i32 = arith.constant 0 : i32
    %c0_i32_0 = arith.constant 0 : i32
    return %arg0, %c0_i32 : i32, i32
  }
  func.func @transform_1(%arg0: i32) -> (i32, i32, i32) {
    %c0_i32 = arith.constant 0 : i32
    %c0_i32_0 = arith.constant 0 : i32
    %c0_i32_1 = arith.constant 0 : i32
    return %c0_i32, %arg0, %c0_i32_0 : i32, i32, i32
  }
  func.func @transform_2(%arg0: i32) -> i32 {
    %c0_i32 = arith.constant 0 : i32
    return %arg0 : i32
  }
}

module attributes {stable_mosaic.version = 14 : i64} {
  func.func @_tc_body(%arg0: i32, %arg1: memref<2048x64xf32, #tpu.memory_space<vmem>>, %arg2: memref<2048x64xf32, #tpu.memory_space<vmem>>, %arg3: memref<2048xf32, #tpu.memory_space<vmem>>, %arg4: memref<1x64xf32, #tpu.memory_space<vmem>>, %arg5: memref<128x128xf32, #tpu.memory_space<vmem>>, %arg6: memref<1x128xf32, #tpu.memory_space<vmem>>, %arg7: memref<64x128xf32, #tpu.memory_space<vmem>>, %arg8: memref<1x64xf32, #tpu.memory_space<vmem>>, %arg9: memref<1x64xf32, #tpu.memory_space<vmem>>, %arg10: memref<1x1xf32, #tpu.memory_space<vmem>>, %arg11: memref<2048xf32, #tpu.memory_space<vmem>>) attributes {dimension_semantics = [#tpu.dimension_semantics<arbitrary>], iteration_bounds = array<i64: 8>, scalar_prefetch = 0 : i64, scratch_operands = 0 : i64, tpu.core_type = #tpu.core_type<tc>, window_params = [{transform_indices = @transform_0, window_bounds = array<i64: 2048, 64>}, {transform_indices = @transform_1, window_bounds = array<i64: 2048, 64>}, {transform_indices = @transform_2, window_bounds = array<i64: 2048>}, {pipeline_mode = #tpu.pipeline_mode<synchronous>, transform_indices = @transform_3, window_bounds = array<i64: 1, 64>}, {pipeline_mode = #tpu.pipeline_mode<synchronous>, transform_indices = @transform_4, window_bounds = array<i64: 128, 128>}, {pipeline_mode = #tpu.pipeline_mode<synchronous>, transform_indices = @transform_5, window_bounds = array<i64: 1, 128>}, {pipeline_mode = #tpu.pipeline_mode<synchronous>, transform_indices = @transform_6, window_bounds = array<i64: 64, 128>}, {pipeline_mode = #tpu.pipeline_mode<synchronous>, transform_indices = @transform_7, window_bounds = array<i64: 1, 64>}, {pipeline_mode = #tpu.pipeline_mode<synchronous>, transform_indices = @transform_8, window_bounds = array<i64: 1, 64>}, {pipeline_mode = #tpu.pipeline_mode<synchronous>, transform_indices = @transform_9, window_bounds = array<i64: 1, 1>}, {transform_indices = @transform_10, window_bounds = array<i64: 2048>}]} {
    %get3A = arith.constant 0 : index
    %get3A_0 = arith.constant 0 : index
    %get3A_1 = vector.load %arg1[%get3A, %get3A_0] : memref<2048x64xf32, #tpu.memory_space<vmem>>, vector<2048x64xf32>
    %get3A_2 = arith.constant 0 : index
    %get3A_3 = arith.constant 0 : index
    %get3A_4 = vector.load %arg2[%get3A_2, %get3A_3] : memref<2048x64xf32, #tpu.memory_space<vmem>>, vector<2048x64xf32>
    %get3A_5 = arith.constant 0 : index
    %get3A_6 = vector.load %arg3[%get3A_5] : memref<2048xf32, #tpu.memory_space<vmem>>, vector<2048xf32>
    %broadcast_in_dim3A = vector.shape_cast %get3A_6 : vector<2048xf32> to vector<2048x1xf32>
    %sub3A = arith.constant 5.000000e+01 : f32
    %sub3A_7 = vector.broadcast %sub3A : f32 to vector<2048x1xf32>
    %sub3A_8 = arith.subf %sub3A_7, %broadcast_in_dim3A : vector<2048x1xf32>
    %get3A_9 = arith.constant 0 : index
    %get3A_10 = arith.constant 0 : index
    %get3A_11 = vector.load %arg4[%get3A_9, %get3A_10] : memref<1x64xf32, #tpu.memory_space<vmem>>, vector<1x64xf32>
    %gt3A = arith.constant 0.000000e+00 : f32
    %gt3A_12 = vector.broadcast %gt3A : f32 to vector<2048x1xf32>
    %gt3A_13 = arith.cmpf ogt, %sub3A_8, %gt3A_12 : vector<2048x1xf32>
    %mul3A = vector.broadcast %broadcast_in_dim3A : vector<2048x1xf32> to vector<2048x64xf32>
    %mul3A_14 = vector.broadcast %get3A_11 : vector<1x64xf32> to vector<2048x64xf32>
    %mul3A_15 = arith.mulf %mul3A, %mul3A_14 : vector<2048x64xf32>
    %sub3A_16 = arith.subf %get3A_4, %mul3A_15 : vector<2048x64xf32>
    %max3A = arith.constant 1.000000e+00 : f32
    %max3A_17 = vector.broadcast %max3A : f32 to vector<2048x1xf32>
    %max3A_18 = arith.maximumf %sub3A_8, %max3A_17 : vector<2048x1xf32>
    %div3A = vector.broadcast %max3A_18 : vector<2048x1xf32> to vector<2048x64xf32>
    %div3A_19 = arith.divf %sub3A_16, %div3A : vector<2048x64xf32>
    %jit3A = arith.constant 0.000000e+00 : f32
    %broadcast_in_dim3A_20 = vector.shape_cast %gt3A_13 : vector<2048x1xi1> to vector<2048x1xi1>
    %broadcast_in_dim3A_21 = vector.broadcast %broadcast_in_dim3A_20 : vector<2048x1xi1> to vector<2048x64xi1>
    %broadcast_in_dim3A_22 = vector.broadcast %jit3A : f32 to vector<2048x64xf32>
    %select_n3A = arith.select %broadcast_in_dim3A_21, %div3A_19, %broadcast_in_dim3A_22 : vector<2048x64xi1>, vector<2048x64xf32>
    %concatenate3A = tpu.concatenate %get3A_1, %select_n3A in 1 : vector<2048x64xf32>, vector<2048x64xf32> -> vector<2048x128xf32>
    %get3A_23 = arith.constant 0 : index
    %get3A_24 = arith.constant 0 : index
    %get3A_25 = vector.load %arg5[%get3A_23, %get3A_24] : memref<128x128xf32, #tpu.memory_space<vmem>>, vector<128x128xf32>
    %dot_general3A = arith.constant dense<0.000000e+00> : vector<2048x128xf32>
    %dot_general3A_26 = tpu.matmul %concatenate3A, %get3A_25, %dot_general3A {dimension_numbers = #tpu.dot_dimension_numbers<[1], [1], [0], [0], [0, 0, 1, 0], [], []>, transpose_lhs_hint = false} : vector<2048x128xf32>, vector<128x128xf32>, vector<2048x128xf32> -> vector<2048x128xf32>
    %get3A_27 = arith.constant 0 : index
    %get3A_28 = arith.constant 0 : index
    %get3A_29 = vector.load %arg6[%get3A_27, %get3A_28] : memref<1x128xf32, #tpu.memory_space<vmem>>, vector<1x128xf32>
    %add3A = vector.broadcast %get3A_29 : vector<1x128xf32> to vector<2048x128xf32>
    %add3A_30 = arith.addf %dot_general3A_26, %add3A : vector<2048x128xf32>
    %max3A_31 = arith.constant 0.000000e+00 : f32
    %max3A_32 = vector.broadcast %max3A_31 : f32 to vector<2048x128xf32>
    %max3A_33 = arith.maximumf %add3A_30, %max3A_32 : vector<2048x128xf32>
    %get3A_34 = arith.constant 0 : index
    %get3A_35 = arith.constant 0 : index
    %get3A_36 = vector.load %arg7[%get3A_34, %get3A_35] : memref<64x128xf32, #tpu.memory_space<vmem>>, vector<64x128xf32>
    %dot_general3A_37 = arith.constant dense<0.000000e+00> : vector<2048x64xf32>
    %dot_general3A_38 = tpu.matmul %max3A_33, %get3A_36, %dot_general3A_37 {dimension_numbers = #tpu.dot_dimension_numbers<[1], [1], [0], [0], [0, 0, 1, 0], [], []>, transpose_lhs_hint = false} : vector<2048x128xf32>, vector<64x128xf32>, vector<2048x64xf32> -> vector<2048x64xf32>
    %get3A_39 = arith.constant 0 : index
    %get3A_40 = arith.constant 0 : index
    %get3A_41 = vector.load %arg8[%get3A_39, %get3A_40] : memref<1x64xf32, #tpu.memory_space<vmem>>, vector<1x64xf32>
    %add3A_42 = vector.broadcast %get3A_41 : vector<1x64xf32> to vector<2048x64xf32>
    %add3A_43 = arith.addf %dot_general3A_38, %add3A_42 : vector<2048x64xf32>
    %max3A_44 = arith.constant 0.000000e+00 : f32
    %max3A_45 = vector.broadcast %max3A_44 : f32 to vector<2048x64xf32>
    %max3A_46 = arith.maximumf %add3A_43, %max3A_45 : vector<2048x64xf32>
    %get3A_47 = arith.constant 0 : index
    %get3A_48 = arith.constant 0 : index
    %get3A_49 = vector.load %arg9[%get3A_47, %get3A_48] : memref<1x64xf32, #tpu.memory_space<vmem>>, vector<1x64xf32>
    %mul3A_50 = vector.broadcast %get3A_49 : vector<1x64xf32> to vector<2048x64xf32>
    %mul3A_51 = arith.mulf %max3A_46, %mul3A_50 : vector<2048x64xf32>
    %reduce_sum3A = arith.constant dense<0.000000e+00> : vector<2048xf32>
    %reduce_sum3A_52 = vector.multi_reduction <add>, %mul3A_51, %reduce_sum3A [1] : vector<2048x64xf32> to vector<2048xf32>
    %get3A_53 = arith.constant 0 : index
    %get3A_54 = arith.constant 0 : index
    %get3A_55 = vector.load %arg10[%get3A_53, %get3A_54] : memref<1x1xf32, #tpu.memory_space<vmem>>, vector<1x1xf32>
    %get3A_56 = vector.extract %get3A_55[0, 0] : f32 from vector<1x1xf32>
    %add3A_57 = vector.broadcast %get3A_56 : f32 to vector<2048xf32>
    %add3A_58 = arith.addf %reduce_sum3A_52, %add3A_57 : vector<2048xf32>
    %swap3A = arith.constant 0 : index
    %swap3A_59 = vector.load %arg11[%swap3A] : memref<2048xf32, #tpu.memory_space<vmem>>, vector<2048xf32>
    tpu.vector_store %arg11[%swap3A], %add3A_58 {strides = array<i32>} : memref<2048xf32, #tpu.memory_space<vmem>>, vector<2048xf32>,
    return
  }
  func.func @transform_0(%arg0: i32) -> (i32, i32) {
    %c0_i32 = arith.constant 0 : i32
    %c0_i32_0 = arith.constant 0 : i32
    return %arg0, %c0_i32 : i32, i32
  }
  func.func @transform_1(%arg0: i32) -> (i32, i32) {
    %c0_i32 = arith.constant 0 : i32
    %c0_i32_0 = arith.constant 0 : i32
    return %arg0, %c0_i32 : i32, i32
  }
  func.func @transform_2(%arg0: i32) -> i32 {
    %c0_i32 = arith.constant 0 : i32
    return %arg0 : i32
  }
  func.func @transform_3(%arg0: i32) -> (i32, i32) {
    %c0_i32 = arith.constant 0 : i32
    %c0_i32_0 = arith.constant 0 : i32
    %c0_i32_1 = arith.constant 0 : i32
    return %c0_i32, %c0_i32_0 : i32, i32
  }
  func.func @transform_4(%arg0: i32) -> (i32, i32) {
    %c0_i32 = arith.constant 0 : i32
    %c0_i32_0 = arith.constant 0 : i32
    %c0_i32_1 = arith.constant 0 : i32
    return %c0_i32, %c0_i32_0 : i32, i32
  }
  func.func @transform_5(%arg0: i32) -> (i32, i32) {
    %c0_i32 = arith.constant 0 : i32
    %c0_i32_0 = arith.constant 0 : i32
    %c0_i32_1 = arith.constant 0 : i32
    return %c0_i32, %c0_i32_0 : i32, i32
  }
  func.func @transform_6(%arg0: i32) -> (i32, i32) {
    %c0_i32 = arith.constant 0 : i32
    %c0_i32_0 = arith.constant 0 : i32
    %c0_i32_1 = arith.constant 0 : i32
    return %c0_i32, %c0_i32_0 : i32, i32
  }
  func.func @transform_7(%arg0: i32) -> (i32, i32) {
    %c0_i32 = arith.constant 0 : i32
    %c0_i32_0 = arith.constant 0 : i32
    %c0_i32_1 = arith.constant 0 : i32
    return %c0_i32, %c0_i32_0 : i32, i32
  }
  func.func @transform_8(%arg0: i32) -> (i32, i32) {
    %c0_i32 = arith.constant 0 : i32
    %c0_i32_0 = arith.constant 0 : i32
    %c0_i32_1 = arith.constant 0 : i32
    return %c0_i32, %c0_i32_0 : i32, i32
  }
  func.func @transform_9(%arg0: i32) -> (i32, i32) {
    %c0_i32 = arith.constant 0 : i32
    %c0_i32_0 = arith.constant 0 : i32
    %c0_i32_1 = arith.constant 0 : i32
    return %c0_i32, %c0_i32_0 : i32, i32
  }
  func.func @transform_10(%arg0: i32) -> i32 {
    %c0_i32 = arith.constant 0 : i32
    return %arg0 : i32
  }
}

</mosaic_0001>

<sc_bundles>
// kernel: kernel.11.cloned.1.call-start
scs
__scs_entry_jumppad:
0x0: {  	(pc) =	sbr.rel $0x88, $3  }
0x1: {  	(tag) =	ssettag $0x0;
	lr =	simm.s32 $0x1  }
0x2: {  	[smem:$0x3F97] =	sst lr;
	_ =	strace $0xD0000000  }
0x3: {  	_ = 	snop  }
0x4: {  	_ = 	snop  }
0x5: {  	_ = 	snop  }
0x6: {  	_ = 	snop  }
0x7: {  	_ = 	snop  }
__scs_overlays_trampoline_lowered:
0x8: {  	[smem:$0x3FA6] =	sst s0  }
0x9: {  	[smem:$0x3FA7] =	sst s1  }
0xa: {  	[smem:$0x3FA8] =	sst s2  }
0xb: {  	[smem:$0x3FA9] =	sst s3  }
0xc: {  	[smem:$0x3FAA] =	sst s4  }
0xd: {  	[smem:$0x3FAB] =	sst s5  }
0xe: {  	[smem:$0x3FAC] =	sst s6  }
0xf: {  	[smem:$0x3FAD] =	sst s7  }
0x10: {  	[smem:$0x3FAE] =	sst s8  }
0x11: {  	[smem:$0x3FAF] =	sst s9;
	s0 =	simm.s32 @!p0 $0x0  }
0x12: {  	s1 =	sld [smem:$0x3F95];
	s0 =	simm.s32 @p0 $0x1  }
0x13: {  	[smem:$0x3FB0] =	sst s0;
	s0 =	simm.s32 @!p1 $0x0  }
0x14: {  	s2 =	sld [smem:$0x3F94];
	s0 =	simm.s32 @p1 $0x1  }
0x15: {  	[smem:$0x3FB1] =	sst s0;
	s0 =	simm.s32 @!p2 $0x0  }
0x16: {  	s3 =	sld [smem:$0x3FDB];
	s0 =	simm.s32 @p2 $0x1  }
0x17: {  	s4 =	simm.s32 $0x1BF5;
	[smem:$0x3FB3] =	sst s0  }
0x18: {  	s0 =	sld [smem:$0x3F96];
	_ =	swait.ge [sflag:s4], $0x0  }
0x19: {  	s7 =	sld [smem:$0x3F97]  }
0x1a: {  	s8 =	sadd.s32 $0xFFFFE003, lr  }
0x1b: {  	s9 =	sadd.s32 $0xFFFFFEF7, lr;
	s5 =	simm.s32 $0xFFFFFFFF;
	p2 =	slt.u32 s8, $0xFFFFF086  }
0x1c: {  	p1 =	slt.u32 s9, $0xF7A;
	s5 =	simm.s32 @!p2 $0x0  }
0x1d: {  	s5 =	simm.s32 @p1 $0x1;
	p0 =	seq.s32 s7, s2  }
0x1e: {  	s7 =	smul.u32 @!p0 $0xF7A, s2;
	p2 =	seq.s32 @!p0 s5, $0x0  }
0x1f: {  	s9 =	smul.u32 $0xF7A, s1;
	s8 =	simm.s32 @!p0 $0x1BF5;
	p2 =	por !p2, p0  }
0x20: {  	[sflag:s8] =	ssyncset.s32 @!p0 $0xFFFFF086;
	s6 =	sadd.s32 @!p0 s3, s7;
	s7 =	simm.s32 @!p0 $0x108  }
0x21: {  	s3 =	sadd.s32 s3, s9;
	s6 =	sadd.s32 @!p0 $0x88, s6;
	s7 =	simm.s32 @p2 $0x1082  }
0x22: {  	[simem:s7], [sflag:s8] =	dma.local @!p0 [hbm:s6], $0xF7A  }
0x23: {  	s9 =	sor.u32 $0xD0000000, s2;
	s6 =	simm.s32 $0x108;
	_ =	swait.ge @!p0 [sflag:s8], $0x0  }
0x24: {  	s3 =	sadd.s32 $0x88, s3;
	s6 =	simm.s32 @!p1 $0x1082;
	[sflag:s4] =	ssyncset.s32 $0xFFFFF086  }
0x25: {  	[simem:s6], [sflag:s4] =	dma.local [hbm:s3], $0xF7A  }
0x26: {  	[smem:$0x3F97] =	sst s1;
	(tag) =	ssettag s2;
	_ =	strace s9  }
0x27: {  	s1 =	sld [smem:$0x3FA7]  }
0x28: {  	s2 =	sld [smem:$0x3FA8]  }
0x29: {  	s4 =	sld [smem:$0x3FAA]  }
0x2a: {  	p0 =	seq.s32 s5, $0x0;
	s5 =	sld [smem:$0x3FAB]  }
0x2b: {  	s6 =	sld [smem:$0x3FAC]  }
0x2c: {  	s7 =	sld [smem:$0x3FAD]  }
0x2d: {  	s3 =	simm.s32 $0x108;
	s8 =	sld [smem:$0x3FAE]  }
0x2e: {  	s3 =	simm.s32 @!p0 $0x1082;
	s9 =	sld [smem:$0x3FAF]  }
0x2f: {  	lr =	sadd.s32 s0, s3;
	s0 =	sld [smem:$0x3FA6]  }
0x30: {  	s3 =	sld [smem:$0x3FA9]  }
0x31: {  	[smem:$0x3FB2] =	sst s10  }
0x32: {  	s10 =	sld [smem:$0x3FB0];
	_ =	sdelay $0x3  }
0x33: {  	p0 =	seq.s32 s10, $0x1;
	s10 =	sld [smem:$0x3FB2];
	_ =	sdelay $0x3  }
0x34: {  	[smem:$0x3FB2] =	sst s10  }
0x35: {  	s10 =	sld [smem:$0x3FB1];
	_ =	sdelay $0x3  }
0x36: {  	p1 =	seq.s32 s10, $0x1;
	s10 =	sld [smem:$0x3FB2];
	_ =	sdelay $0x3  }
0x37: {  	[smem:$0x3FB2] =	sst s10  }
0x38: {  	s10 =	sld [smem:$0x3FB3]  }
0x39: {  	_ = 	snop;
	(pc) =	sbr.ind lr, $3  }
0x3a: {  	_ = 	snop  }
0x3b: {  	_ = 	snop  }
0x3c: {  	p2 =	seq.s32 s10, $0x1;
	s10 =	sld [smem:$0x3FB2]  }
0x3d: {  	_ =	shalt  }
0x3e: {  	_ =	shalt  }
0x3f: {  	_ =	shalt  }
0x40: {  	_ =	shalt  }
0x41: {  	_ =	shalt  }
0x42: {  	_ =	shalt  }
0x43: {  	_ =	shalt  }
0x44: {  	_ =	shalt  }
0x45: {  	_ =	shalt  }
0x46: {  	_ =	shalt  }
0x47: {  	_ =	shalt  }
0x48: {  	_ =	shalt  }
0x49: {  	_ =	shalt  }
0x4a: {  	_ =	shalt  }
0x4b: {  	_ =	shalt  }
0x4c: {  	_ =	shalt  }
0x4d: {  	_ =	shalt  }
0x4e: {  	_ =	shalt  }
0x4f: {  	_ =	shalt  }
0x50: {  	_ =	shalt  }
0x51: {  	_ =	shalt  }
0x52: {  	_ =	shalt  }
0x53: {  	_ =	shalt  }
0x54: {  	_ =	shalt  }
0x55: {  	_ =	shalt  }
0x56: {  	_ =	shalt  }
0x57: {  	_ =	shalt  }
0x58: {  	_ =	shalt  }
0x59: {  	_ =	shalt  }
0x5a: {  	_ =	shalt  }
0x5b: {  	_ =	shalt  }
0x5c: {  	_ =	shalt  }
0x5d: {  	_ =	shalt  }
0x5e: {  	_ =	shalt  }
0x5f: {  	_ =	shalt  }
0x60: {  	_ =	shalt  }
0x61: {  	_ =	shalt  }
0x62: {  	_ =	shalt  }
0x63: {  	_ =	shalt  }
0x64: {  	_ =	shalt  }
0x65: {  	_ =	shalt  }
0x66: {  	_ =	shalt  }
0x67: {  	_ =	shalt  }
0x68: {  	_ =	shalt  }
0x69: {  	_ =	shalt  }
0x6a: {  	_ =	shalt  }
0x6b: {  	_ =	shalt  }
0x6c: {  	_ =	shalt  }
0x6d: {  	_ =	shalt  }
0x6e: {  	_ =	shalt  }
0x6f: {  	_ =	shalt  }
0x70: {  	_ =	shalt  }
0x71: {  	_ =	shalt  }
0x72: {  	_ =	shalt  }
0x73: {  	_ =	shalt  }
0x74: {  	_ =	shalt  }
0x75: {  	_ =	shalt  }
0x76: {  	_ =	shalt  }
0x77: {  	_ =	shalt  }
0x78: {  	_ =	shalt  }
0x79: {  	_ =	shalt  }
0x7a: {  	_ =	shalt  }
0x7b: {  	_ =	shalt  }
0x7c: {  	_ =	shalt  }
0x7d: {  	_ =	shalt  }
0x7e: {  	_ =	shalt  }
0x7f: {  	_ =	shalt  }
0x80: {  	_ =	shalt  }
0x81: {  	_ =	shalt  }
0x82: {  	_ =	shalt  }
0x83: {  	_ =	shalt  }
0x84: {  	_ =	shalt  }
0x85: {  	_ =	shalt  }
0x86: {  	_ =	shalt  }
0x87: {  	_ =	shalt  }
.Lfunc_end0:
.L_simem_size_0:
called_computation.1_lowered:
.L_overlay_start_0:
0x88: {  	s2 =	sld [smem:$0x3FD9]  }
0x89: {  	s3 =	sld [smem:$0x3FFE];
	_ =	sdelay $0x1  }
0x8a: {  	s1 =	srdreg.scid  }
0x8b: {  	s0 =	sand.u32 $0x1, s1  }
0x8c: {  	s17 =	sshll.u32 s0, $0xA;
	s2 =	sadd.s32 s3, s2  }
0x8d: {  	s2 =	sadd.s32 s2, s17  }
0x8e: {  	[smem:$0x3FBE] =	sst s2  }
0x8f: {  	_ = 	snop  }
0x90: {  	s2 =	sld [smem:$0x3FC9];
	(tm) =	ssettm $0x1  }
0x91: {  	s18 =	sld [smem:$0x3FFB];
	_ =	sdelay $0x3  }
0x92: {  	_ =	strace s18  }
0x93: {  	s3 =	sld [smem:$0x3FFC];
	_ =	sdelay $0x3  }
0x94: {  	_ =	strace s3  }
0x95: {  	s3 =	sld [smem:$0x3FFD];
	_ =	sdelay $0x3  }
0x96: {  	_ =	strace s3  }
0x97: {  	_ =	strace $0x8FFFFFFF  }
0x98: {  	s19 =	sld [smem:$0x3FDB];
	_ =	sdelay $0x1  }
0x99: {  	s4 =	simm.s32 $_scs_section_size  }
0x9a: {  	s5 =	simm.s32 $_size__tile_overlayer_lowered;
	s6 =	simm.s32 $_tile_overlayer_lowered  }
0x9b: {  	s22 =	simm.s32 $0x1BFF;
	s21 =	sshll.u32 s6, $0x1;
	s3 =	sadd.s32 s4, s19  }
0x9c: {  	s7 =	simm.s32 $0x0;
	s20 =	sshll.u32 s5, $0x1;
	s5 =	sadd.s32 s21, s3  }
0x9d: {  	[timem:s7], [sflag:s22] =	dma.local [hbm:s5], s20  }
0x9e: {  	_ =	swait.ge [sflag:s22], s20  }
0x9f: {  	s4 =	ssub.s32 $0x0, s20;
	[sflag:s22] =	ssyncset.done $0x0  }
0xa0: {  	[sflag:s22] =	ssyncadd.s32 s4;
	_ =	sdelay $0x1  }
0xa1: {  	s23 =	simm.s32 $0x1B8B  }
0xa2: {  	_ =	swait.ge [sflag:s23], $0x1  }
0xa3: {  	[sflag:s23] =	ssyncset.done $0x0  }
0xa4: {  	s25 =	simm.s32 $0x1B8E;
	s24 =	sld [smem:$0x3FFE];
	[sflag:s23] =	ssyncadd.s32 $0xFFFFFFFF  }
0xa5: {  	s26 =	simm.s32 $execute0_lowered;
	[smem:$0x3FD2] =	sst s25  }
0xa6: {  	s5 =	sshll.u32 s26, $0x1;
	_ =	strace $0x80000046;
	[dreg:$0x1] =	wrdreg $0xFFFFFFFF  }
0xa7: {  	s28 =	simm.s32 $_size_execute0_lowered;
	s3 =	sadd.s32 s3, s5;
	[dreg:$0x0] =	wrdreg $0x0  }
0xa8: {  	s5 =	sshll.u32 s28, $0x1;
	[dreg:$0x2] =	wrdreg s3  }
0xa9: {  	[dreg:$0x3] =	wrdreg s5  }
0xaa: {  	[dreg:$0x4] =	wrdreg $0xC0  }
0xab: {  	_ =	task [dreg:s7], $0x5FFFF  }
0xac: {  	[dreg:$0x1] =	wrdreg $0xFFFFFFFF  }
0xad: {  	[dreg:$0x0] =	wrdreg $0x60  }
0xae: {  	[dreg:$0x2] =	wrdreg s2  }
0xaf: {  	[dreg:$0x3] =	wrdreg s24  }
0xb0: {  	[dreg:$0x4] =	wrdreg $0xA  }
0xb1: {  	_ =	task.clear_ibuf [dreg:s7], $0x5FFFF;
	_ =	strace $0x90000046  }
0xb2: {  	s29 =	simm.s32 $0xA;
	_ =	strace $0x80000048  }
0xb3: {  	_ =	swait.ge [sflag:s29], $0x1  }
0xb4: {  	[sflag:s29] =	ssyncadd.s32 $0xFFFFFFFF  }
0xb5: {  	_ =	strace $0x90000048  }
0xb6: {  	_ =	sfence  }
0xb7: {  	s30 =	sld [smem:$0x0];
	_ =	sdelay $0x2  }
0xb8: {  	s31 =	sshll.u32 s1, $0xD;
	s1 =	sshrl.u32 s1, $0x2  }
0xb9: {  	s3 =	sand.u32 $0x4000, s31;
	s1 =	sadd.s32 s1, s30  }
0xba: {  	s0 =	sor.u32 s3, s0;
	s1 =	sshll.u32 s1, $0x11  }
0xbb: {  	s0 =	sor.u32 s1, s0  }
0xbc: {  	s0 =	sadd.s32 $0x8F2B, s0  }
0xbd: {  	[sflag:s0] =	ssyncadd.remote.s32 $0x1  }
0xbe: {  	_ =	sfence.sel $0xFFFF  }
0xbf: {  	[dreg:$0x0] =	wrdreg $0xFFFFFFFF;
	(pc) =	sbr.abs _section_cstart, $3  }
0xc0: {  	[dreg:$0x1] =	wrdreg $0xFFFFFFFF  }
0xc1: {  	_ =	task.clear_ibuf [dreg:s7], $0x2FFFF;
	_ =	strace $0x9FFFFFFF  }
0xc2: {  	(tm) =	ssettm $0x7FFFFFFF  }
0xc3: {  	_ =	shalt  }
tec
execute0_lowered:
.L_overlay_start_1:
0x0: {  	(tag) =	ssettag $0x1  }
0x1: {  	s3 =	rddreg [dreg:$0x0]  }
0x2: {  	s1 =	srdreg.scid;
	s0 =	stileid.u32  }
0x3: {  	s14 =	rddreg [dreg:$0x1];
	s9 =	sand.u32 $0x1, s1;
	s4 =	sshll.u32 s0, $0x1  }
0x4: {  	s2 =	simm.s32 $0x0;
	s1 =	rddreg [dreg:$0x2];
	s15 =	sor.u32 s9, s4  }
0x5: {  	[smem:$0x7FF] =	sst s2;
	s4 =	sshll.u32 s15, $0x6  }
0x6: {  	_ =	strace $0x80000047;
	s4 =	sadd.s32 s3, s4;
	s3 =	simm.s32 $0x2  }
0x7: {  	[tilespmem:s2], [sflag:$0x2] =	stream.linear.gather [hbm4b:s4+s2], $0x200, $0x38;
	[tilespmem:$0x8200] =	vst v63  }
0x8: {  	s6 =	simm.s32 $0x80;
	s7 =	simm.s32 $0x200;
	_ =	swait.ge [sflag:s3], $0x200  }
0x9: {  	s8 =	simm.s32 $0x2200;
	s10 =	simm.s32 $0x4200;
	[sflag:s3] =	ssyncset.done $0x0  }
0xa: {  	s5 =	sadd.s32 $0x1800, s14;
	s16 =	ssub.s32 $0x2, s9;
	[sflag:s3] =	ssyncadd.s32 $0xFFFFFE00  }
0xb: {  	[tilespmem:s7], [sflag:$0x1] =	stream.indirect.gather [hbm4b:s5+s6], $0x40, s2, s6, $0xb8;
	[tilespmem:$0x8200] =	vst v63  }
0xc: {  	s11 =	simm.s32 $0x180;
	s12 =	simm.s32 $0x6200;
	s17 =	sshrl.u32 s16, $0x1  }
0xd: {  	[tilespmem:s8], [sflag:$0x1] =	stream.indirect.gather [hbm4b:s5+s6], $0x40, s6, s6, $0xb8;
	[tilespmem:$0x8200] =	vst v63  }
0xe: {  	s9 =	simm.s32 $0x100;
	s15 =	sshll.u32 s15, $0xC;
	s31 =	ssub.s32 s16, s17  }
0xf: {  	[tilespmem:s10], [sflag:$0x1] =	stream.indirect.gather [hbm4b:s5+s6], $0x40, s9, s6, $0xb8;
	[tilespmem:$0x8200] =	vst v63  }
0x10: {  	s13 =	simm.s32 $0x1;
	s14 =	sadd.s32 s15, s14;
	s15 =	smax.u32 s31, $0x1  }
0x11: {  	[tilespmem:s12], [sflag:$0x1] =	stream.indirect.gather [hbm4b:s5+s6], $0x40, s11, s6, $0xb8;
	[tilespmem:$0x8200] =	vst v63  }
0x12: {  	p0 =	sne.s32 s15, $0x1;
	_ =	swait.ge [sflag:s13], $0x8000  }
.Ltmp0:
0x13: {  	[sflag:s13] =	ssyncset.done $0x0;
	(pc) =	sbr.rel @!p0 .LBB2_2-.Ltmp0, $4  }
0x14: {  	s14 =	sadd.s32 $0x7A2A00, s14;
	[sflag:s13] =	ssyncadd.s32 $0xFFFF8000  }
0x15: {  	[hbm4b:s14+s2] =	stream.linear.scatter [tilespmem:s7], [sflag:$0x2], $0x8000, $0x38;
	[tilespmem:$0x8200] =	vst v63  }
0x16: {  	_ =	swait.ge [sflag:s3], $0x8000  }
0x17: {  	s15 =	sadd.s32 $0xFFFFFFFF, s15;
	[sflag:s3] =	ssyncset.done $0x0  }
.LBB2_1:
0x18: {  	p0 =	sne.s32 s15, $0x1;
	s15 =	sadd.s32 $0xFFFFFFFF, s15;
	[sflag:s3] =	ssyncadd.s32 $0xFFFF8000  }
0x19: {  	[tilespmem:s2], [sflag:$0x2] =	stream.linear.gather [hbm4b:s4+s2], $0x200, $0x38;
	[tilespmem:$0x8200] =	vst v63  }
0x1a: {  	_ =	swait.ge [sflag:s3], $0x200  }
0x1b: {  	[sflag:s3] =	ssyncset.done $0x0  }
0x1c: {  	[sflag:s3] =	ssyncadd.s32 $0xFFFFFE00  }
0x1d: {  	[tilespmem:s7], [sflag:$0x1] =	stream.indirect.gather [hbm4b:s5+s6], $0x40, s2, s6, $0xb8;
	[tilespmem:$0x8200] =	vst v63  }
0x1e: {  	_ = 	snop  }
0x1f: {  	[tilespmem:s8], [sflag:$0x1] =	stream.indirect.gather [hbm4b:s5+s6], $0x40, s6, s6, $0xb8;
	[tilespmem:$0x8200] =	vst v63  }
0x20: {  	_ = 	snop  }
0x21: {  	[tilespmem:s10], [sflag:$0x1] =	stream.indirect.gather [hbm4b:s5+s6], $0x40, s9, s6, $0xb8;
	[tilespmem:$0x8200] =	vst v63  }
0x22: {  	_ = 	snop  }
0x23: {  	[tilespmem:s12], [sflag:$0x1] =	stream.indirect.gather [hbm4b:s5+s6], $0x40, s11, s6, $0xb8;
	[tilespmem:$0x8200] =	vst v63  }
0x24: {  	_ =	swait.ge [sflag:s13], $0x8000  }
.Ltmp1:
0x25: {  	[sflag:s13] =	ssyncset.done $0x0;
	(pc) =	sbr.rel @p0 .LBB2_1-.Ltmp1, $4  }
0x26: {  	[sflag:s13] =	ssyncadd.s32 $0xFFFF8000  }
0x27: {  	[hbm4b:s14+s2] =	stream.linear.scatter [tilespmem:s7], [sflag:$0x2], $0x8000, $0x38;
	[tilespmem:$0x8200] =	vst v63  }
0x28: {  	_ =	swait.ge [sflag:s3], $0x8000  }
0x29: {  	[sflag:s3] =	ssyncset.done $0x0  }
.LBB2_2:
0x2a: {  	[sflag:s3] =	ssyncadd.s32 $0xFFFF8000  }
0x2b: {  	_ =	sfence.sel $0x180000  }
0x2c: {  	[bflag:$0x0] =	sbarrier.arrive $0xFFFF  }
0x2d: {  	p0 =	sne.s32 s0, $0x0;
	_ =	strace $0x90000047  }
0x2e: {  	s0 =	sadd.s32 @!p0 $0x100000, s1;
	[bflag:$0x2] =	sbarrier.arrive $0xFFFF  }
0x2f: {  	[sflag:s0] =	ssyncadd.tile.s32 @!p0 $0x1;
	_ =	shalt  }
.Lfunc_end2:
_tile_overlayer_lowered:
.L_overlay_start_2:
0x30: {  	(tag) =	ssettag $0x2  }
0x31: {  	s0 =	rddreg [dreg:$0x0];
	s2 =	stileid.u32  }
0x32: {  	s1 =	rddreg [dreg:$0x1];
	p0 =	sne.s32 s2, $0x0  }
0x33: {  	s3 =	rddreg [dreg:$0x2];
	[bflag:$0x3] =	sbarrier.arrive $0xFFFF;
	s2 =	simm.s32 @!p0 $0x1C02  }
0x34: {  	[timem:s3], [sflag:s2] =	dma.local @!p0 [hbm:s0], s1  }
0x35: {  	s0 =	simm.s32 @!p0 $0x2  }
0x36: {  	_ =	swait.ge @!p0 [sflag:s0], s1  }
0x37: {  	s1 =	ssub.s32 @!p0 $0x0, s1;
	[sflag:s0] =	ssyncset.done @!p0 $0x0  }
0x38: {  	[sflag:s0] =	ssyncadd.s32 @!p0 s1  }
0x39: {  	[bflag:$0x3] =	sbarrier.arrive $0xFFFF  }
0x3a: {  	_ =	shalt  }

// kernel: kernel.8.cloned.1.call-start
scs
__scs_entry_jumppad:
0x0: {  	(pc) =	sbr.rel $0x88, $3  }
0x1: {  	(tag) =	ssettag $0x0;
	lr =	simm.s32 $0x1  }
0x2: {  	[smem:$0x3F97] =	sst lr;
	_ =	strace $0xD0000000  }
0x3: {  	_ = 	snop  }
0x4: {  	_ = 	snop  }
0x5: {  	_ = 	snop  }
0x6: {  	_ = 	snop  }
0x7: {  	_ = 	snop  }
__scs_overlays_trampoline_lowered:
0x8: {  	[smem:$0x3FA6] =	sst s0  }
0x9: {  	[smem:$0x3FA7] =	sst s1  }
0xa: {  	[smem:$0x3FA8] =	sst s2  }
0xb: {  	[smem:$0x3FA9] =	sst s3  }
0xc: {  	[smem:$0x3FAA] =	sst s4  }
0xd: {  	[smem:$0x3FAB] =	sst s5  }
0xe: {  	[smem:$0x3FAC] =	sst s6  }
0xf: {  	[smem:$0x3FAD] =	sst s7  }
0x10: {  	[smem:$0x3FAE] =	sst s8  }
0x11: {  	[smem:$0x3FAF] =	sst s9;
	s0 =	simm.s32 @!p0 $0x0  }
0x12: {  	s1 =	sld [smem:$0x3F95];
	s0 =	simm.s32 @p0 $0x1  }
0x13: {  	[smem:$0x3FB0] =	sst s0;
	s0 =	simm.s32 @!p1 $0x0  }
0x14: {  	s2 =	sld [smem:$0x3F94];
	s0 =	simm.s32 @p1 $0x1  }
0x15: {  	[smem:$0x3FB1] =	sst s0;
	s0 =	simm.s32 @!p2 $0x0  }
0x16: {  	s3 =	sld [smem:$0x3FDB];
	s0 =	simm.s32 @p2 $0x1  }
0x17: {  	s4 =	simm.s32 $0x1BF5;
	[smem:$0x3FB3] =	sst s0  }
0x18: {  	s0 =	sld [smem:$0x3F96];
	_ =	swait.ge [sflag:s4], $0x0  }
0x19: {  	s7 =	sld [smem:$0x3F97]  }
0x1a: {  	s8 =	sadd.s32 $0xFFFFE003, lr  }
0x1b: {  	s9 =	sadd.s32 $0xFFFFFEF7, lr;
	s5 =	simm.s32 $0xFFFFFFFF;
	p2 =	slt.u32 s8, $0xFFFFF086  }
0x1c: {  	p1 =	slt.u32 s9, $0xF7A;
	s5 =	simm.s32 @!p2 $0x0  }
0x1d: {  	s5 =	simm.s32 @p1 $0x1;
	p0 =	seq.s32 s7, s2  }
0x1e: {  	s7 =	smul.u32 @!p0 $0xF7A, s2;
	p2 =	seq.s32 @!p0 s5, $0x0  }
0x1f: {  	s9 =	smul.u32 $0xF7A, s1;
	s8 =	simm.s32 @!p0 $0x1BF5;
	p2 =	por !p2, p0  }
0x20: {  	[sflag:s8] =	ssyncset.s32 @!p0 $0xFFFFF086;
	s6 =	sadd.s32 @!p0 s3, s7;
	s7 =	simm.s32 @!p0 $0x108  }
0x21: {  	s3 =	sadd.s32 s3, s9;
	s6 =	sadd.s32 @!p0 $0x88, s6;
	s7 =	simm.s32 @p2 $0x1082  }
0x22: {  	[simem:s7], [sflag:s8] =	dma.local @!p0 [hbm:s6], $0xF7A  }
0x23: {  	s9 =	sor.u32 $0xD0000000, s2;
	s6 =	simm.s32 $0x108;
	_ =	swait.ge @!p0 [sflag:s8], $0x0  }
0x24: {  	s3 =	sadd.s32 $0x88, s3;
	s6 =	simm.s32 @!p1 $0x1082;
	[sflag:s4] =	ssyncset.s32 $0xFFFFF086  }
0x25: {  	[simem:s6], [sflag:s4] =	dma.local [hbm:s3], $0xF7A  }
0x26: {  	[smem:$0x3F97] =	sst s1;
	(tag) =	ssettag s2;
	_ =	strace s9  }
0x27: {  	s1 =	sld [smem:$0x3FA7]  }
0x28: {  	s2 =	sld [smem:$0x3FA8]  }
0x29: {  	s4 =	sld [smem:$0x3FAA]  }
0x2a: {  	p0 =	seq.s32 s5, $0x0;
	s5 =	sld [smem:$0x3FAB]  }
0x2b: {  	s6 =	sld [smem:$0x3FAC]  }
0x2c: {  	s7 =	sld [smem:$0x3FAD]  }
0x2d: {  	s3 =	simm.s32 $0x108;
	s8 =	sld [smem:$0x3FAE]  }
0x2e: {  	s3 =	simm.s32 @!p0 $0x1082;
	s9 =	sld [smem:$0x3FAF]  }
0x2f: {  	lr =	sadd.s32 s0, s3;
	s0 =	sld [smem:$0x3FA6]  }
0x30: {  	s3 =	sld [smem:$0x3FA9]  }
0x31: {  	[smem:$0x3FB2] =	sst s10  }
0x32: {  	s10 =	sld [smem:$0x3FB0];
	_ =	sdelay $0x3  }
0x33: {  	p0 =	seq.s32 s10, $0x1;
	s10 =	sld [smem:$0x3FB2];
	_ =	sdelay $0x3  }
0x34: {  	[smem:$0x3FB2] =	sst s10  }
0x35: {  	s10 =	sld [smem:$0x3FB1];
	_ =	sdelay $0x3  }
0x36: {  	p1 =	seq.s32 s10, $0x1;
	s10 =	sld [smem:$0x3FB2];
	_ =	sdelay $0x3  }
0x37: {  	[smem:$0x3FB2] =	sst s10  }
0x38: {  	s10 =	sld [smem:$0x3FB3]  }
0x39: {  	_ = 	snop;
	(pc) =	sbr.ind lr, $3  }
0x3a: {  	_ = 	snop  }
0x3b: {  	_ = 	snop  }
0x3c: {  	p2 =	seq.s32 s10, $0x1;
	s10 =	sld [smem:$0x3FB2]  }
0x3d: {  	_ =	shalt  }
0x3e: {  	_ =	shalt  }
0x3f: {  	_ =	shalt  }
0x40: {  	_ =	shalt  }
0x41: {  	_ =	shalt  }
0x42: {  	_ =	shalt  }
0x43: {  	_ =	shalt  }
0x44: {  	_ =	shalt  }
0x45: {  	_ =	shalt  }
0x46: {  	_ =	shalt  }
0x47: {  	_ =	shalt  }
0x48: {  	_ =	shalt  }
0x49: {  	_ =	shalt  }
0x4a: {  	_ =	shalt  }
0x4b: {  	_ =	shalt  }
0x4c: {  	_ =	shalt  }
0x4d: {  	_ =	shalt  }
0x4e: {  	_ =	shalt  }
0x4f: {  	_ =	shalt  }
0x50: {  	_ =	shalt  }
0x51: {  	_ =	shalt  }
0x52: {  	_ =	shalt  }
0x53: {  	_ =	shalt  }
0x54: {  	_ =	shalt  }
0x55: {  	_ =	shalt  }
0x56: {  	_ =	shalt  }
0x57: {  	_ =	shalt  }
0x58: {  	_ =	shalt  }
0x59: {  	_ =	shalt  }
0x5a: {  	_ =	shalt  }
0x5b: {  	_ =	shalt  }
0x5c: {  	_ =	shalt  }
0x5d: {  	_ =	shalt  }
0x5e: {  	_ =	shalt  }
0x5f: {  	_ =	shalt  }
0x60: {  	_ =	shalt  }
0x61: {  	_ =	shalt  }
0x62: {  	_ =	shalt  }
0x63: {  	_ =	shalt  }
0x64: {  	_ =	shalt  }
0x65: {  	_ =	shalt  }
0x66: {  	_ =	shalt  }
0x67: {  	_ =	shalt  }
0x68: {  	_ =	shalt  }
0x69: {  	_ =	shalt  }
0x6a: {  	_ =	shalt  }
0x6b: {  	_ =	shalt  }
0x6c: {  	_ =	shalt  }
0x6d: {  	_ =	shalt  }
0x6e: {  	_ =	shalt  }
0x6f: {  	_ =	shalt  }
0x70: {  	_ =	shalt  }
0x71: {  	_ =	shalt  }
0x72: {  	_ =	shalt  }
0x73: {  	_ =	shalt  }
0x74: {  	_ =	shalt  }
0x75: {  	_ =	shalt  }
0x76: {  	_ =	shalt  }
0x77: {  	_ =	shalt  }
0x78: {  	_ =	shalt  }
0x79: {  	_ =	shalt  }
0x7a: {  	_ =	shalt  }
0x7b: {  	_ =	shalt  }
0x7c: {  	_ =	shalt  }
0x7d: {  	_ =	shalt  }
0x7e: {  	_ =	shalt  }
0x7f: {  	_ =	shalt  }
0x80: {  	_ =	shalt  }
0x81: {  	_ =	shalt  }
0x82: {  	_ =	shalt  }
0x83: {  	_ =	shalt  }
0x84: {  	_ =	shalt  }
0x85: {  	_ =	shalt  }
0x86: {  	_ =	shalt  }
0x87: {  	_ =	shalt  }
.Lfunc_end0:
.L_simem_size_0:
called_computation_lowered:
.L_overlay_start_0:
0x88: {  	s2 =	sld [smem:$0x3FD9]  }
0x89: {  	s3 =	sld [smem:$0x3FFE];
	_ =	sdelay $0x1  }
0x8a: {  	s1 =	srdreg.scid  }
0x8b: {  	s0 =	sand.u32 $0x1, s1  }
0x8c: {  	s17 =	sshll.u32 s0, $0xA;
	s2 =	sadd.s32 s3, s2  }
0x8d: {  	s2 =	sadd.s32 s2, s17  }
0x8e: {  	[smem:$0x3FBE] =	sst s2  }
0x8f: {  	_ = 	snop  }
0x90: {  	(tm) =	ssettm $0x1  }
0x91: {  	s18 =	sld [smem:$0x3FFB];
	_ =	sdelay $0x3  }
0x92: {  	_ =	strace s18  }
0x93: {  	s2 =	sld [smem:$0x3FFC];
	_ =	sdelay $0x3  }
0x94: {  	_ =	strace s2  }
0x95: {  	s2 =	sld [smem:$0x3FFD];
	_ =	sdelay $0x3  }
0x96: {  	_ =	strace s2  }
0x97: {  	_ =	strace $0x8FFFFFFF  }
0x98: {  	s19 =	sld [smem:$0x3FDB];
	_ =	sdelay $0x1  }
0x99: {  	s20 =	simm.s32 $_scs_section_size  }
0x9a: {  	s4 =	simm.s32 $_size__tile_overlayer_lowered;
	s5 =	simm.s32 $_tile_overlayer_lowered  }
0x9b: {  	s6 =	simm.s32 $0x1BFF;
	s21 =	sshll.u32 s5, $0x1;
	s3 =	sadd.s32 s20, s19  }
0x9c: {  	s22 =	simm.s32 $0x0;
	s4 =	sshll.u32 s4, $0x1;
	s5 =	sadd.s32 s21, s3  }
0x9d: {  	[timem:s22], [sflag:s6] =	dma.local [hbm:s5], s4  }
0x9e: {  	_ =	swait.ge [sflag:s6], s4  }
0x9f: {  	s4 =	ssub.s32 $0x0, s4;
	[sflag:s6] =	ssyncset.done $0x0  }
0xa0: {  	[sflag:s6] =	ssyncadd.s32 s4;
	_ =	sdelay $0x1  }
0xa1: {  	s23 =	simm.s32 $0x1B8B  }
0xa2: {  	_ =	swait.ge [sflag:s23], $0x1  }
0xa3: {  	[sflag:s23] =	ssyncset.done $0x0  }
0xa4: {  	[sflag:s23] =	ssyncadd.s32 $0xFFFFFFFF  }
0xa5: {  	s4 =	sld [smem:$0x0]  }
0xa6: {  	s5 =	sand.u32 $0xFFFFFFFE, s1  }
0xa7: {  	p0 =	sne.s32 s1, s5  }
0xa8: {  	s5 =	sshll.u32 @p0 s5, $0xE  }
0xa9: {  	s5 =	sadd.s32 @p0 $0x11B8D, s5;
	s6 =	sshll.u32 @p0 s4, $0x11  }
0xaa: {  	s5 =	sor.u32 @p0 s6, s5  }
0xab: {  	[sflag:s5] =	ssyncadd.remote.s32 @p0 $0x1;
	_ =	sdelay $0x1  }
0xac: {  	s5 =	simm.s32 @p0 $0x1B8D  }
0xad: {  	_ =	swait.eq @p0 [sflag:s5], $0x1  }
0xae: {  	[sflag:s5] =	ssyncadd.s32 @p0 $0xFFFFFFFF  }
0xaf: {  	s6 =	sshll.u32 @!p0 s1, $0xE  }
0xb0: {  	s6 =	sor.u32 @!p0 $0x4000, s6;
	s5 =	simm.s32 @!p0 $0x1B8D  }
0xb1: {  	s4 =	sshll.u32 @!p0 s4, $0x11;
	s6 =	sadd.s32 @!p0 $0x11B8D, s6;
	_ =	swait.eq @!p0 [sflag:s5], $0x1  }
0xb2: {  	s4 =	sor.u32 @!p0 s4, s6;
	[sflag:s5] =	ssyncadd.s32 @!p0 $0xFFFFFFFF  }
0xb3: {  	s25 =	simm.s32 $0x1B8E;
	s24 =	sld [smem:$0x3FFE];
	[sflag:s4] =	ssyncadd.remote.s32 @!p0 $0x1  }
0xb4: {  	s26 =	simm.s32 $execute0_lowered;
	[smem:$0x3FD2] =	sst s25  }
0xb5: {  	s5 =	sshll.u32 s26, $0x1;
	_ =	strace $0x80000049;
	[dreg:$0x1] =	wrdreg $0xFFFFFFFF  }
0xb6: {  	s28 =	simm.s32 $_size_execute0_lowered;
	s3 =	sadd.s32 s3, s5;
	[dreg:$0x0] =	wrdreg $0x0  }
0xb7: {  	s5 =	sshll.u32 s28, $0x1;
	[dreg:$0x2] =	wrdreg s3  }
0xb8: {  	[dreg:$0x3] =	wrdreg s5  }
0xb9: {  	[dreg:$0x4] =	wrdreg $0xC0  }
0xba: {  	_ =	task [dreg:s22], $0x5FFFF  }
0xbb: {  	[dreg:$0x1] =	wrdreg $0xFFFFFFFF  }
0xbc: {  	[dreg:$0x0] =	wrdreg $0x60  }
0xbd: {  	[dreg:$0x2] =	wrdreg s24  }
0xbe: {  	[dreg:$0x3] =	wrdreg $0x9  }
0xbf: {  	_ =	task.clear_ibuf [dreg:s22], $0x4FFFF;
	_ =	strace $0x90000049  }
0xc0: {  	s29 =	simm.s32 $0x9;
	_ =	strace $0x8000004B  }
0xc1: {  	_ =	swait.ge [sflag:s29], $0x1  }
0xc2: {  	[sflag:s29] =	ssyncadd.s32 $0xFFFFFFFF  }
0xc3: {  	_ =	strace $0x9000004B  }
0xc4: {  	_ =	sfence  }
0xc5: {  	s30 =	sld [smem:$0x0];
	_ =	sdelay $0x2  }
0xc6: {  	s31 =	sshll.u32 s1, $0xD;
	s1 =	sshrl.u32 s1, $0x2  }
0xc7: {  	s4 =	sand.u32 $0x4000, s31;
	s1 =	sadd.s32 s1, s30  }
0xc8: {  	s0 =	sor.u32 s4, s0;
	s1 =	sshll.u32 s1, $0x11  }
0xc9: {  	s0 =	sor.u32 s1, s0  }
0xca: {  	s0 =	sadd.s32 $0x8F2B, s0  }
0xcb: {  	[sflag:s0] =	ssyncadd.remote.s32 $0x1  }
0xcc: {  	_ =	sfence.sel $0xFFFF  }
0xcd: {  	[dreg:$0x0] =	wrdreg $0xFFFFFFFF;
	(pc) =	sbr.abs _section_cstart, $3  }
0xce: {  	[dreg:$0x1] =	wrdreg $0xFFFFFFFF  }
0xcf: {  	_ =	task.clear_ibuf [dreg:s22], $0x2FFFF;
	_ =	strace $0x9FFFFFFF  }
0xd0: {  	(tm) =	ssettm $0x7FFFFFFF  }
0xd1: {  	_ =	shalt  }
tec
execute0_lowered:
.L_overlay_start_1:
0x0: {  	(tag) =	ssettag $0x1  }
0x1: {  	s4 =	rddreg [dreg:$0x0]  }
0x2: {  	s0 =	rddreg [dreg:$0x1];
	s3 =	srdreg.scid  }
0x3: {  	s1 =	stileid.u32;
	s2 =	simm.s32 $0x0;
	s9 =	simm.s32 $0x2  }
0x4: {  	s10 =	simm.s32 $0x80;
	s11 =	simm.s32 $0x6400;
	s12 =	simm.s32 $0x8400  }
0x5: {  	s13 =	simm.s32 $0x100;
	s14 =	simm.s32 $0xA400;
	s15 =	simm.s32 $0x180  }
0x6: {  	s16 =	simm.s32 $0xC400;
	s17 =	simm.s32 $0x1;
	s18 =	simm.s32 $0x0  }
0x7: {  	s3 =	sand.u32 $0x1, s3;
	s5 =	sshll.u32 s1, $0x1;
	[smem:$0x7FF] =	sst s2  }
0x8: {  	s5 =	sor.u32 s3, s5;
	_ =	strace $0x8000004A;
	s7 =	ssub.s32 $0x2, s3  }
0x9: {  	s3 =	sadd.s32 $0x7DBA00, s4;
	s6 =	sshll.u32 s5, $0x6;
	s5 =	sshll.u32 s5, $0xC  }
0xa: {  	s8 =	sshrl.u32 s7, $0x1;
	s6 =	sadd.s32 s6, s4;
	s5 =	sadd.s32 s5, s4  }
0xb: {  	s7 =	ssub.s32 s7, s8;
	s8 =	simm.s32 $0x4000;
	s4 =	sadd.s32 $0x7C2A00, s6  }
0xc: {  	s5 =	sadd.s32 $0x89F000, s5;
	s6 =	smax.u32 s7, $0x1;
	s7 =	simm.s32 $0x200  }
.LBB2_1:
0xd: {  	[tilespmem:s2], [sflag:$0x2] =	stream.strided.gather [hbm4b:s4+s7], $0x6400, s8, s7, $0x38;
	[tilespmem:$0xE400] =	vst v63  }
0xe: {  	_ =	swait.ge [sflag:s9], $0x6400  }
0xf: {  	[sflag:s9] =	ssyncset.done $0x0  }
0x10: {  	[sflag:s9] =	ssyncadd.s32 $0xFFFF9C00  }
0x11: {  	[tilespmem:s11], [sflag:$0x1] =	stream.indirect.gather [hbm4b:s3+s10], $0x40, s2, s10, $0xb8;
	[tilespmem:$0xE400] =	vst v63  }
0x12: {  	_ = 	snop  }
0x13: {  	[tilespmem:s12], [sflag:$0x1] =	stream.indirect.gather [hbm4b:s3+s10], $0x40, s10, s10, $0xb8;
	[tilespmem:$0xE400] =	vst v63  }
0x14: {  	_ = 	snop  }
0x15: {  	[tilespmem:s14], [sflag:$0x1] =	stream.indirect.gather [hbm4b:s3+s10], $0x40, s13, s10, $0xb8;
	[tilespmem:$0xE400] =	vst v63  }
0x16: {  	_ = 	snop  }
0x17: {  	[tilespmem:s16], [sflag:$0x1] =	stream.indirect.gather [hbm4b:s3+s10], $0x40, s15, s10, $0xb8;
	[tilespmem:$0xE400] =	vst v63  }
0x18: {  	_ =	swait.ge [sflag:s17], $0x8000  }
0x19: {  	[sflag:s17] =	ssyncset.done $0x0  }
0x1a: {  	s19 =	simm.s32 $0x200;
	[sflag:s17] =	ssyncadd.s32 $0xFFFF8000  }
0x1b: {  	[tilespmem:s11], [sflag:$0x1] =	stream.indirect.gather.add.f32 [hbm:s3], $0x40, s19, s10, $0xb8;
	[tilespmem:$0xE400] =	vst v63  }
0x1c: {  	s30 =	simm.s32 $0x280;
	s31 =	simm.s32 $0x300  }
0x1d: {  	[tilespmem:s12], [sflag:$0x1] =	stream.indirect.gather.add.f32 [hbm:s3], $0x40, s30, s10, $0xb8;
	[tilespmem:$0xE400] =	vst v63  }
0x1e: {  	s20 =	simm.s32 $0xFFFE8800;
	s21 =	simm.s32 $0x380;
	s19 =	simm.s32 $0xFFFFA000  }
0x1f: {  	[tilespmem:s14], [sflag:$0x1] =	stream.indirect.gather.add.f32 [hbm:s3], $0x40, s31, s10, $0xb8;
	[tilespmem:$0xE400] =	vst v63  }
.LBB2_2:
0x20: {  	[tilespmem:s16], [sflag:$0x1] =	stream.indirect.gather.add.f32 [hbm:s3], $0x40, s21, s10, $0xb8;
	[tilespmem:$0xE400] =	vst v63  }
0x21: {  	s21 =	smov.u32 s20;
	s23 =	sadd.s32 $0x800, s20  }
0x22: {  	p0 =	sne.s32 s20, $0xFFFFF800;
	s22 =	sshra.s32 s21, $0x2;
	s21 =	sadd.s32 $0x6400, s19  }
0x23: {  	[tilespmem:s11], [sflag:$0x1] =	stream.indirect.gather.add.f32 [hbm:s3], $0x40, s21, s10, $0xb8;
	[tilespmem:$0xE400] =	vst v63  }
.Ltmp0:
0x24: {  	s20 =	sadd.s32 $0x6480, s19;
	(pc) =	sbr.rel @p0 .LBB2_2-.Ltmp0, $4  }
0x25: {  	[tilespmem:s12], [sflag:$0x1] =	stream.indirect.gather.add.f32 [hbm:s3], $0x40, s20, s10, $0xb8;
	[tilespmem:$0xE400] =	vst v63  }
0x26: {  	s20 =	sadd.s32 $0x6500, s19  }
0x27: {  	[tilespmem:s14], [sflag:$0x1] =	stream.indirect.gather.add.f32 [hbm:s3], $0x40, s20, s10, $0xb8;
	[tilespmem:$0xE400] =	vst v63  }
0x28: {  	s21 =	sadd.s32 $0x6580, s19;
	s19 =	smov.u32 s22;
	s20 =	smov.u32 s23  }
0x29: {  	[tilespmem:s16], [sflag:$0x1] =	stream.indirect.gather.add.f32 [hbm:s3], $0x40, s21, s10, $0xb8;
	[tilespmem:$0xE400] =	vst v63  }
0x2a: {  	s20 =	sadd.s32 $0x6400, s19  }
0x2b: {  	[tilespmem:s11], [sflag:$0x1] =	stream.indirect.gather.add.f32 [hbm:s3], $0x40, s20, s10, $0xb8;
	[tilespmem:$0xE400] =	vst v63  }
0x2c: {  	s29 =	sadd.s32 $0x6480, s19  }
0x2d: {  	[tilespmem:s12], [sflag:$0x1] =	stream.indirect.gather.add.f32 [hbm:s3], $0x40, s29, s10, $0xb8;
	[tilespmem:$0xE400] =	vst v63  }
0x2e: {  	s30 =	sadd.s32 $0x6500, s19  }
0x2f: {  	[tilespmem:s14], [sflag:$0x1] =	stream.indirect.gather.add.f32 [hbm:s3], $0x40, s30, s10, $0xb8;
	[tilespmem:$0xE400] =	vst v63  }
0x30: {  	s31 =	sadd.s32 $0x6580, s19  }
0x31: {  	[tilespmem:s16], [sflag:$0x1] =	stream.indirect.gather.add.f32 [hbm:s3], $0x40, s31, s10, $0xb8;
	[tilespmem:$0xE400] =	vst v63  }
0x32: {  	_ =	swait.ge [sflag:s17], $0x8000  }
0x33: {  	s19 =	simm.s32 $0x30;
	[sflag:s17] =	ssyncset.done $0x0  }
.LBB2_4:
0x34: {  	p0 =	sne.s32 s19, $0x1;
	s19 =	sadd.s32 $0xFFFFFFFF, s19;
	[sflag:s17] =	ssyncadd.s32 $0xFFFF8000  }
.Ltmp1:
0x35: {  	(pc) =	sbr.rel @p0 .LBB2_4-.Ltmp1, $3  }
0x36: {  	_ =	sdelay $0x1  }
0x37: {  	_ =	swait.ge [sflag:s17], $0x8000  }
0x38: {  	[sflag:s17] =	ssyncset.done $0x0  }
0x39: {  	s18 =	sadd.s32 $0x1, s18  }
0x3a: {  	p0 =	sne.s32 s18, s6  }
.Ltmp2:
0x3b: {  	[sflag:s17] =	ssyncadd.s32 $0xFFFF8000;
	(pc) =	sbr.rel @p0 .LBB2_1-.Ltmp2, $4  }
0x3c: {  	[hbm4b:s5+s2] =	stream.linear.scatter [tilespmem:s11], [sflag:$0x2], $0x8000, $0x38;
	[tilespmem:$0xE400] =	vst v63  }
0x3d: {  	_ =	swait.ge [sflag:s9], $0x8000  }
0x3e: {  	[sflag:s9] =	ssyncset.done $0x0  }
0x3f: {  	[sflag:s9] =	ssyncadd.s32 $0xFFFF8000  }
0x40: {  	_ =	sfence.sel $0x180000  }
0x41: {  	[bflag:$0x0] =	sbarrier.arrive $0xFFFF  }
0x42: {  	p0 =	sne.s32 s1, $0x0;
	_ =	strace $0x9000004A  }
0x43: {  	s0 =	sadd.s32 @!p0 $0x100000, s0;
	[bflag:$0x2] =	sbarrier.arrive $0xFFFF  }
0x44: {  	[sflag:s0] =	ssyncadd.tile.s32 @!p0 $0x1;
	_ =	shalt  }
.Lfunc_end2:
_tile_overlayer_lowered:
.L_overlay_start_2:
0x45: {  	(tag) =	ssettag $0x2  }
0x46: {  	s0 =	rddreg [dreg:$0x0];
	s2 =	stileid.u32  }
0x47: {  	s1 =	rddreg [dreg:$0x1];
	p0 =	sne.s32 s2, $0x0  }
0x48: {  	s3 =	rddreg [dreg:$0x2];
	[bflag:$0x3] =	sbarrier.arrive $0xFFFF;
	s2 =	simm.s32 @!p0 $0x1C02  }
0x49: {  	[timem:s3], [sflag:s2] =	dma.local @!p0 [hbm:s0], s1  }
0x4a: {  	s0 =	simm.s32 @!p0 $0x2  }
0x4b: {  	_ =	swait.ge @!p0 [sflag:s0], s1  }
0x4c: {  	s1 =	ssub.s32 @!p0 $0x0, s1;
	[sflag:s0] =	ssyncset.done @!p0 $0x0  }
0x4d: {  	[sflag:s0] =	ssyncadd.s32 @!p0 s1  }
0x4e: {  	[bflag:$0x3] =	sbarrier.arrive $0xFFFF  }
0x4f: {  	_ =	shalt  }

</sc_bundles>
